<compile_context>
chip_gen: v7x
topology: tpu7x:2x2x1
jax: 0.10.2.dev20260603
libtpu: 0.0.44.dev20260713+nightly
codegen_flags: <defaults>
</compile_context>

<pallas_src>
import functools

import jax
import jax.numpy as jnp
from jax import lax
from jax.experimental import pallas as pl
from jax.experimental.pallas import tpu as pltpu
from jax.experimental.pallas import tpu_sc as plsc

NODE_NUM = 1000000
HIDDEN_DIM = 64
BATCH = 16384

_info = plsc.get_sparse_core_info()
_NC, _NS = _info.num_cores, _info.num_subcores
_NW = _NC * _NS
_B_PER_W = BATCH // _NW
_CHUNK = 16


@functools.partial(
    pl.kernel,
    mesh=plsc.VectorSubcoreMesh(core_axis_name="c", subcore_axis_name="s"),
    out_type=jax.ShapeDtypeStruct((BATCH, HIDDEN_DIM), jnp.float32),
    scratch_types=[
        pltpu.VMEM((_B_PER_W,), jnp.int32),
        pltpu.VMEM((_B_PER_W, HIDDEN_DIM), jnp.float32),
        pltpu.SemaphoreType.DMA,
        pltpu.SemaphoreType.DMA,
    ],
)
def _gather_kernel(idx_hbm, table_hbm, out_hbm, idx_v, rows_v, sem0, sem1):
    wid = lax.axis_index("s") * _NC + lax.axis_index("c")
    base = wid * _B_PER_W
    sems = (sem0, sem1)
    pltpu.sync_copy(idx_hbm.at[pl.ds(base, _B_PER_W)], idx_v)

    @pl.loop(0, _B_PER_W // _CHUNK, unroll=2)
    def _fire(i):
        v = idx_v[pl.ds(i * _CHUNK, _CHUNK)]
        for t in range(_CHUNK):
            r = v[t]
            pltpu.make_async_copy(
                table_hbm.at[pl.ds(r, 1), :],
                rows_v.at[pl.ds(i * _CHUNK + t, 1), :],
                sems[t % 2],
            ).start()

    pltpu.make_async_copy(
        table_hbm.at[pl.ds(0, _B_PER_W // 2), :],
        rows_v.at[pl.ds(0, _B_PER_W // 2), :],
        sem0,
    ).wait()
    pltpu.make_async_copy(
        table_hbm.at[pl.ds(0, _B_PER_W // 2), :],
        rows_v.at[pl.ds(0, _B_PER_W // 2), :],
        sem1,
    ).wait()
    pltpu.sync_copy(rows_v, out_hbm.at[pl.ds(base, _B_PER_W)])


def kernel(indices, table):
    return _gather_kernel(indices.astype(jnp.int32), table)

# --- scband reference (transcript-rebuilt; emitter-appended) ---
"""Pipeline reference for scband-neighbor-prediction-2181843386576 (READ-ONLY COPY).

The authoritative reference and input builder live on the scoring server;
editing this copy changes nothing except your own understanding.
"""

import jax, jax.numpy as jnp
import numpy as np

NODE_NUM = 1000000
HIDDEN_DIM = 64
BATCH = 16384


def setup_inputs(seed: int = 0) -> dict:
    key = jax.random.key(seed)
    k1, k2 = jax.random.split(key)
    indices = jax.random.randint(k1, (BATCH,), 0, NODE_NUM, dtype=jnp.int64)
    # Embedding table initialized per random_init: 0.02 * N(0, 1)
    table = 0.02 * jax.random.normal(k2, (NODE_NUM, HIDDEN_DIM), dtype=jnp.float32)
    return {"indices": indices, "table": table}


def reference(indices, table):
    # Faithful embedding lookup (nn.Embedding gather) followed by dropout.
    # Dropout is identity in eval mode.
    emb = jnp.take(table, indices, axis=0)
    return emb

if __name__ == "__main__":
    import jax
    _d = setup_inputs()
    print(jax.jit(kernel)(*tuple(_d.values())))

</pallas_src>

<mosaic_0001>
#map = affine_map<(d0, d1) -> (0)>
#map1 = affine_map<(d0, d1) -> (0, 0)>
module attributes {stable_mosaic.version = 14 : i64} {
  func.func @_gather_kernel(%arg0: i32, %arg1: i32, %arg2: memref<16384xi32, #tpu.memory_space<hbm>>, %arg3: memref<1000000x64xf32, #tpu.memory_space<hbm>>, %arg4: memref<16384x64xf32, #tpu.memory_space<hbm>>, %arg5: memref<512xi32, #tpu.memory_space<vmem>>, %arg6: memref<512x64xf32, #tpu.memory_space<vmem>>, %arg7: memref<!tpu.dma_semaphore, #tpu.memory_space<semaphore_mem>>, %arg8: memref<!tpu.dma_semaphore, #tpu.memory_space<semaphore_mem>>) attributes {dimension_semantics = [#tpu.dimension_semantics<core_parallel>, #tpu.dimension_semantics<subcore_parallel>], iteration_bounds = array<i64: 2, 16>, scalar_prefetch = 0 : i64, scratch_operands = 4 : i64, tpu.core_type = #tpu.core_type<sc_vector_subcore>, window_params = [{transform_indices = #map}, {transform_indices = #map1}, {transform_indices = #map1}]} {
    %mul3A = arith.constant 2 : i32
    %mul3A_0 = arith.muli %arg1, %mul3A : i32
    %add3A = arith.addi %mul3A_0, %arg0 : i32
    %mul3A_1 = arith.constant 512 : i32
    %mul3A_2 = arith.muli %add3A, %mul3A_1 : i32
    "tpu.region"() ({
      %run_scoped3A = tpu.sem_alloc : memref<!tpu.dma_semaphore, #tpu.memory_space<semaphore_mem>>
      %dma_start3A = tpu.memref_slice %arg2[%mul3A_2] : memref<16384xi32, #tpu.memory_space<hbm>> -> memref<512xi32, #tpu.memory_space<hbm>>
      %dma_start3A_30 = tpu.memref_slice %arg2[%mul3A_2] : memref<16384xi32, #tpu.memory_space<hbm>> -> memref<512xi32, #tpu.memory_space<hbm>>
      tpu.enqueue_dma source(%dma_start3A_30 : memref<512xi32, #tpu.memory_space<hbm>>) target(%arg5 : memref<512xi32, #tpu.memory_space<vmem>>) target_semaphore(%run_scoped3A : memref<!tpu.dma_semaphore, #tpu.memory_space<semaphore_mem>>)
      %dma_wait3A_31 = tpu.memref_slice %arg2[%mul3A_2] : memref<16384xi32, #tpu.memory_space<hbm>> -> memref<512xi32, #tpu.memory_space<hbm>>
      %dma_wait3A_32 = tpu.memref_slice %arg2[%mul3A_2] : memref<16384xi32, #tpu.memory_space<hbm>> -> memref<512xi32, #tpu.memory_space<hbm>>
      tpu.wait_dma2 semaphore(%run_scoped3A : memref<!tpu.dma_semaphore, #tpu.memory_space<semaphore_mem>>) src(%dma_wait3A_32 : memref<512xi32, #tpu.memory_space<hbm>>) dst(%arg5 : memref<512xi32, #tpu.memory_space<vmem>>)
      tpu.yield
    }) : () -> ()
    %scan3A = arith.constant 0 : i32
    %scan3A_3 = arith.constant 32 : i32
    %scan3A_4 = arith.addi %scan3A, %scan3A_3 : i32
    %scan3A_5 = arith.constant 2 : i32
    scf.for %scan3A_30 = %scan3A to %scan3A_4 step %scan3A_5  : i32 {
      %mul3A_31 = arith.constant 1 : i32
      %mul3A_32 = arith.muli %scan3A_30, %mul3A_31 : i32
      %add3A_33 = arith.constant 0 : i32
      %add3A_34 = arith.addi %add3A_33, %mul3A_32 : i32
      %mul3A_35 = arith.constant 16 : i32
      %mul3A_36 = arith.muli %add3A_34, %mul3A_35 : i32
      %get3A = arith.index_cast %mul3A_36 : i32 to index
      %get3A_37 = tpu.vector_load %arg5[%get3A] {strides = array<i32>} : memref<512xi32, #tpu.memory_space<vmem>>, vector<16xi32>,
      %get3A_38 = vector.shape_cast %get3A_37 : vector<16xi32> to vector<16xi32>
      %slice3A = vector.extract_strided_slice %get3A_38 {offsets = [0], sizes = [1], strides = [1]} : vector<16xi32> to vector<1xi32>
      %squeeze3A = vector.extract %slice3A[0] : i32 from vector<1xi32>
      %mul3A_39 = arith.constant 16 : i32
      %mul3A_40 = arith.muli %add3A_34, %mul3A_39 : i32
      %add3A_41 = arith.constant 0 : i32
      %add3A_42 = arith.addi %mul3A_40, %add3A_41 : i32
      %dma_start3A = arith.constant 0 : i32
      %dma_start3A_43 = tpu.memref_slice %arg6[%add3A_42, %dma_start3A] : memref<512x64xf32, #tpu.memory_space<vmem>> -> memref<1x64xf32, #tpu.memory_space<vmem>>
      %dma_start3A_44 = arith.constant 0 : i32
      %dma_start3A_45 = tpu.memref_slice %arg3[%squeeze3A, %dma_start3A_44] : memref<1000000x64xf32, #tpu.memory_space<hbm>> -> memref<1x64xf32, #tpu.memory_space<hbm>>
      %dma_start3A_46 = arith.constant 0 : i32
      %dma_start3A_47 = tpu.memref_slice %arg6[%add3A_42, %dma_start3A_46] : memref<512x64xf32, #tpu.memory_space<vmem>> -> memref<1x64xf32, #tpu.memory_space<vmem>>
      %dma_start3A_48 = arith.constant 0 : i32
      %dma_start3A_49 = tpu.memref_slice %arg3[%squeeze3A, %dma_start3A_48] : memref<1000000x64xf32, #tpu.memory_space<hbm>> -> memref<1x64xf32, #tpu.memory_space<hbm>>
      tpu.enqueue_dma source(%dma_start3A_49 : memref<1x64xf32, #tpu.memory_space<hbm>>) target(%dma_start3A_47 : memref<1x64xf32, #tpu.memory_space<vmem>>) target_semaphore(%arg7 : memref<!tpu.dma_semaphore, #tpu.memory_space<semaphore_mem>>)
      %slice3A_50 = vector.extract_strided_slice %get3A_38 {offsets = [1], sizes = [1], strides = [1]} : vector<16xi32> to vector<1xi32>
      %squeeze3A_51 = vector.extract %slice3A_50[0] : i32 from vector<1xi32>
      %mul3A_52 = arith.constant 16 : i32
      %mul3A_53 = arith.muli %add3A_34, %mul3A_52 : i32
      %add3A_54 = arith.constant 1 : i32
      %add3A_55 = arith.addi %mul3A_53, %add3A_54 : i32
      %dma_start3A_56 = arith.constant 0 : i32
      %dma_start3A_57 = tpu.memref_slice %arg6[%add3A_55, %dma_start3A_56] : memref<512x64xf32, #tpu.memory_space<vmem>> -> memref<1x64xf32, #tpu.memory_space<vmem>>
      %dma_start3A_58 = arith.constant 0 : i32
      %dma_start3A_59 = tpu.memref_slice %arg3[%squeeze3A_51, %dma_start3A_58] : memref<1000000x64xf32, #tpu.memory_space<hbm>> -> memref<1x64xf32, #tpu.memory_space<hbm>>
      %dma_start3A_60 = arith.constant 0 : i32
      %dma_start3A_61 = tpu.memref_slice %arg6[%add3A_55, %dma_start3A_60] : memref<512x64xf32, #tpu.memory_space<vmem>> -> memref<1x64xf32, #tpu.memory_space<vmem>>
      %dma_start3A_62 = arith.constant 0 : i32
      %dma_start3A_63 = tpu.memref_slice %arg3[%squeeze3A_51, %dma_start3A_62] : memref<1000000x64xf32, #tpu.memory_space<hbm>> -> memref<1x64xf32, #tpu.memory_space<hbm>>
      tpu.enqueue_dma source(%dma_start3A_63 : memref<1x64xf32, #tpu.memory_space<hbm>>) target(%dma_start3A_61 : memref<1x64xf32, #tpu.memory_space<vmem>>) target_semaphore(%arg8 : memref<!tpu.dma_semaphore, #tpu.memory_space<semaphore_mem>>)
      %slice3A_64 = vector.extract_strided_slice %get3A_38 {offsets = [2], sizes = [1], strides = [1]} : vector<16xi32> to vector<1xi32>
      %squeeze3A_65 = vector.extract %slice3A_64[0] : i32 from vector<1xi32>
      %mul3A_66 = arith.constant 16 : i32
      %mul3A_67 = arith.muli %add3A_34, %mul3A_66 : i32
      %add3A_68 = arith.constant 2 : i32
      %add3A_69 = arith.addi %mul3A_67, %add3A_68 : i32
      %dma_start3A_70 = arith.constant 0 : i32
      %dma_start3A_71 = tpu.memref_slice %arg6[%add3A_69, %dma_start3A_70] : memref<512x64xf32, #tpu.memory_space<vmem>> -> memref<1x64xf32, #tpu.memory_space<vmem>>
      %dma_start3A_72 = arith.constant 0 : i32
      %dma_start3A_73 = tpu.memref_slice %arg3[%squeeze3A_65, %dma_start3A_72] : memref<1000000x64xf32, #tpu.memory_space<hbm>> -> memref<1x64xf32, #tpu.memory_space<hbm>>
      %dma_start3A_74 = arith.constant 0 : i32
      %dma_start3A_75 = tpu.memref_slice %arg6[%add3A_69, %dma_start3A_74] : memref<512x64xf32, #tpu.memory_space<vmem>> -> memref<1x64xf32, #tpu.memory_space<vmem>>
      %dma_start3A_76 = arith.constant 0 : i32
      %dma_start3A_77 = tpu.memref_slice %arg3[%squeeze3A_65, %dma_start3A_76] : memref<1000000x64xf32, #tpu.memory_space<hbm>> -> memref<1x64xf32, #tpu.memory_space<hbm>>
      tpu.enqueue_dma source(%dma_start3A_77 : memref<1x64xf32, #tpu.memory_space<hbm>>) target(%dma_start3A_75 : memref<1x64xf32, #tpu.memory_space<vmem>>) target_semaphore(%arg7 : memref<!tpu.dma_semaphore, #tpu.memory_space<semaphore_mem>>)
      %slice3A_78 = vector.extract_strided_slice %get3A_38 {offsets = [3], sizes = [1], strides = [1]} : vector<16xi32> to vector<1xi32>
      %squeeze3A_79 = vector.extract %slice3A_78[0] : i32 from vector<1xi32>
      %mul3A_80 = arith.constant 16 : i32
      %mul3A_81 = arith.muli %add3A_34, %mul3A_80 : i32
      %add3A_82 = arith.constant 3 : i32
      %add3A_83 = arith.addi %mul3A_81, %add3A_82 : i32
      %dma_start3A_84 = arith.constant 0 : i32
      %dma_start3A_85 = tpu.memref_slice %arg6[%add3A_83, %dma_start3A_84] : memref<512x64xf32, #tpu.memory_space<vmem>> -> memref<1x64xf32, #tpu.memory_space<vmem>>
      %dma_start3A_86 = arith.constant 0 : i32
      %dma_start3A_87 = tpu.memref_slice %arg3[%squeeze3A_79, %dma_start3A_86] : memref<1000000x64xf32, #tpu.memory_space<hbm>> -> memref<1x64xf32, #tpu.memory_space<hbm>>
      %dma_start3A_88 = arith.constant 0 : i32
      %dma_start3A_89 = tpu.memref_slice %arg6[%add3A_83, %dma_start3A_88] : memref<512x64xf32, #tpu.memory_space<vmem>> -> memref<1x64xf32, #tpu.memory_space<vmem>>
      %dma_start3A_90 = arith.constant 0 : i32
      %dma_start3A_91 = tpu.memref_slice %arg3[%squeeze3A_79, %dma_start3A_90] : memref<1000000x64xf32, #tpu.memory_space<hbm>> -> memref<1x64xf32, #tpu.memory_space<hbm>>
      tpu.enqueue_dma source(%dma_start3A_91 : memref<1x64xf32, #tpu.memory_space<hbm>>) target(%dma_start3A_89 : memref<1x64xf32, #tpu.memory_space<vmem>>) target_semaphore(%arg8 : memref<!tpu.dma_semaphore, #tpu.memory_space<semaphore_mem>>)
      %slice3A_92 = vector.extract_strided_slice %get3A_38 {offsets = [4], sizes = [1], strides = [1]} : vector<16xi32> to vector<1xi32>
      %squeeze3A_93 = vector.extract %slice3A_92[0] : i32 from vector<1xi32>
      %mul3A_94 = arith.constant 16 : i32
      %mul3A_95 = arith.muli %add3A_34, %mul3A_94 : i32
      %add3A_96 = arith.constant 4 : i32
      %add3A_97 = arith.addi %mul3A_95, %add3A_96 : i32
      %dma_start3A_98 = arith.constant 0 : i32
      %dma_start3A_99 = tpu.memref_slice %arg6[%add3A_97, %dma_start3A_98] : memref<512x64xf32, #tpu.memory_space<vmem>> -> memref<1x64xf32, #tpu.memory_space<vmem>>
      %dma_start3A_100 = arith.constant 0 : i32
      %dma_start3A_101 = tpu.memref_slice %arg3[%squeeze3A_93, %dma_start3A_100] : memref<1000000x64xf32, #tpu.memory_space<hbm>> -> memref<1x64xf32, #tpu.memory_space<hbm>>
      %dma_start3A_102 = arith.constant 0 : i32
      %dma_start3A_103 = tpu.memref_slice %arg6[%add3A_97, %dma_start3A_102] : memref<512x64xf32, #tpu.memory_space<vmem>> -> memref<1x64xf32, #tpu.memory_space<vmem>>
      %dma_start3A_104 = arith.constant 0 : i32
      %dma_start3A_105 = tpu.memref_slice %arg3[%squeeze3A_93, %dma_start3A_104] : memref<1000000x64xf32, #tpu.memory_space<hbm>> -> memref<1x64xf32, #tpu.memory_space<hbm>>
      tpu.enqueue_dma source(%dma_start3A_105 : memref<1x64xf32, #tpu.memory_space<hbm>>) target(%dma_start3A_103 : memref<1x64xf32, #tpu.memory_space<vmem>>) target_semaphore(%arg7 : memref<!tpu.dma_semaphore, #tpu.memory_space<semaphore_mem>>)
      %slice3A_106 = vector.extract_strided_slice %get3A_38 {offsets = [5], sizes = [1], strides = [1]} : vector<16xi32> to vector<1xi32>
      %squeeze3A_107 = vector.extract %slice3A_106[0] : i32 from vector<1xi32>
      %mul3A_108 = arith.constant 16 : i32
      %mul3A_109 = arith.muli %add3A_34, %mul3A_108 : i32
      %add3A_110 = arith.constant 5 : i32
      %add3A_111 = arith.addi %mul3A_109, %add3A_110 : i32
      %dma_start3A_112 = arith.constant 0 : i32
      %dma_start3A_113 = tpu.memref_slice %arg6[%add3A_111, %dma_start3A_112] : memref<512x64xf32, #tpu.memory_space<vmem>> -> memref<1x64xf32, #tpu.memory_space<vmem>>
      %dma_start3A_114 = arith.constant 0 : i32
      %dma_start3A_115 = tpu.memref_slice %arg3[%squeeze3A_107, %dma_start3A_114] : memref<1000000x64xf32, #tpu.memory_space<hbm>> -> memref<1x64xf32, #tpu.memory_space<hbm>>
      %dma_start3A_116 = arith.constant 0 : i32
      %dma_start3A_117 = tpu.memref_slice %arg6[%add3A_111, %dma_start3A_116] : memref<512x64xf32, #tpu.memory_space<vmem>> -> memref<1x64xf32, #tpu.memory_space<vmem>>
      %dma_start3A_118 = arith.constant 0 : i32
      %dma_start3A_119 = tpu.memref_slice %arg3[%squeeze3A_107, %dma_start3A_118] : memref<1000000x64xf32, #tpu.memory_space<hbm>> -> memref<1x64xf32, #tpu.memory_space<hbm>>
      tpu.enqueue_dma source(%dma_start3A_119 : memref<1x64xf32, #tpu.memory_space<hbm>>) target(%dma_start3A_117 : memref<1x64xf32, #tpu.memory_space<vmem>>) target_semaphore(%arg8 : memref<!tpu.dma_semaphore, #tpu.memory_space<semaphore_mem>>)
      %slice3A_120 = vector.extract_strided_slice %get3A_38 {offsets = [6], sizes = [1], strides = [1]} : vector<16xi32> to vector<1xi32>
      %squeeze3A_121 = vector.extract %slice3A_120[0] : i32 from vector<1xi32>
      %mul3A_122 = arith.constant 16 : i32
      %mul3A_123 = arith.muli %add3A_34, %mul3A_122 : i32
      %add3A_124 = arith.constant 6 : i32
      %add3A_125 = arith.addi %mul3A_123, %add3A_124 : i32
      %dma_start3A_126 = arith.constant 0 : i32
      %dma_start3A_127 = tpu.memref_slice %arg6[%add3A_125, %dma_start3A_126] : memref<512x64xf32, #tpu.memory_space<vmem>> -> memref<1x64xf32, #tpu.memory_space<vmem>>
      %dma_start3A_128 = arith.constant 0 : i32
      %dma_start3A_129 = tpu.memref_slice %arg3[%squeeze3A_121, %dma_start3A_128] : memref<1000000x64xf32, #tpu.memory_space<hbm>> -> memref<1x64xf32, #tpu.memory_space<hbm>>
      %dma_start3A_130 = arith.constant 0 : i32
      %dma_start3A_131 = tpu.memref_slice %arg6[%add3A_125, %dma_start3A_130] : memref<512x64xf32, #tpu.memory_space<vmem>> -> memref<1x64xf32, #tpu.memory_space<vmem>>
      %dma_start3A_132 = arith.constant 0 : i32
      %dma_start3A_133 = tpu.memref_slice %arg3[%squeeze3A_121, %dma_start3A_132] : memref<1000000x64xf32, #tpu.memory_space<hbm>> -> memref<1x64xf32, #tpu.memory_space<hbm>>
      tpu.enqueue_dma source(%dma_start3A_133 : memref<1x64xf32, #tpu.memory_space<hbm>>) target(%dma_start3A_131 : memref<1x64xf32, #tpu.memory_space<vmem>>) target_semaphore(%arg7 : memref<!tpu.dma_semaphore, #tpu.memory_space<semaphore_mem>>)
      %slice3A_134 = vector.extract_strided_slice %get3A_38 {offsets = [7], sizes = [1], strides = [1]} : vector<16xi32> to vector<1xi32>
      %squeeze3A_135 = vector.extract %slice3A_134[0] : i32 from vector<1xi32>
      %mul3A_136 = arith.constant 16 : i32
      %mul3A_137 = arith.muli %add3A_34, %mul3A_136 : i32
      %add3A_138 = arith.constant 7 : i32
      %add3A_139 = arith.addi %mul3A_137, %add3A_138 : i32
      %dma_start3A_140 = arith.constant 0 : i32
      %dma_start3A_141 = tpu.memref_slice %arg6[%add3A_139, %dma_start3A_140] : memref<512x64xf32, #tpu.memory_space<vmem>> -> memref<1x64xf32, #tpu.memory_space<vmem>>
      %dma_start3A_142 = arith.constant 0 : i32
      %dma_start3A_143 = tpu.memref_slice %arg3[%squeeze3A_135, %dma_start3A_142] : memref<1000000x64xf32, #tpu.memory_space<hbm>> -> memref<1x64xf32, #tpu.memory_space<hbm>>
      %dma_start3A_144 = arith.constant 0 : i32
      %dma_start3A_145 = tpu.memref_slice %arg6[%add3A_139, %dma_start3A_144] : memref<512x64xf32, #tpu.memory_space<vmem>> -> memref<1x64xf32, #tpu.memory_space<vmem>>
      %dma_start3A_146 = arith.constant 0 : i32
      %dma_start3A_147 = tpu.memref_slice %arg3[%squeeze3A_135, %dma_start3A_146] : memref<1000000x64xf32, #tpu.memory_space<hbm>> -> memref<1x64xf32, #tpu.memory_space<hbm>>
      tpu.enqueue_dma source(%dma_start3A_147 : memref<1x64xf32, #tpu.memory_space<hbm>>) target(%dma_start3A_145 : memref<1x64xf32, #tpu.memory_space<vmem>>) target_semaphore(%arg8 : memref<!tpu.dma_semaphore, #tpu.memory_space<semaphore_mem>>)
      %slice3A_148 = vector.extract_strided_slice %get3A_38 {offsets = [8], sizes = [1], strides = [1]} : vector<16xi32> to vector<1xi32>
      %squeeze3A_149 = vector.extract %slice3A_148[0] : i32 from vector<1xi32>
      %mul3A_150 = arith.constant 16 : i32
      %mul3A_151 = arith.muli %add3A_34, %mul3A_150 : i32
      %add3A_152 = arith.constant 8 : i32
      %add3A_153 = arith.addi %mul3A_151, %add3A_152 : i32
      %dma_start3A_154 = arith.constant 0 : i32
      %dma_start3A_155 = tpu.memref_slice %arg6[%add3A_153, %dma_start3A_154] : memref<512x64xf32, #tpu.memory_space<vmem>> -> memref<1x64xf32, #tpu.memory_space<vmem>>
      %dma_start3A_156 = arith.constant 0 : i32
      %dma_start3A_157 = tpu.memref_slice %arg3[%squeeze3A_149, %dma_start3A_156] : memref<1000000x64xf32, #tpu.memory_space<hbm>> -> memref<1x64xf32, #tpu.memory_space<hbm>>
      %dma_start3A_158 = arith.constant 0 : i32
      %dma_start3A_159 = tpu.memref_slice %arg6[%add3A_153, %dma_start3A_158] : memref<512x64xf32, #tpu.memory_space<vmem>> -> memref<1x64xf32, #tpu.memory_space<vmem>>
      %dma_start3A_160 = arith.constant 0 : i32
      %dma_start3A_161 = tpu.memref_slice %arg3[%squeeze3A_149, %dma_start3A_160] : memref<1000000x64xf32, #tpu.memory_space<hbm>> -> memref<1x64xf32, #tpu.memory_space<hbm>>
      tpu.enqueue_dma source(%dma_start3A_161 : memref<1x64xf32, #tpu.memory_space<hbm>>) target(%dma_start3A_159 : memref<1x64xf32, #tpu.memory_space<vmem>>) target_semaphore(%arg7 : memref<!tpu.dma_semaphore, #tpu.memory_space<semaphore_mem>>)
      %slice3A_162 = vector.extract_strided_slice %get3A_38 {offsets = [9], sizes = [1], strides = [1]} : vector<16xi32> to vector<1xi32>
      %squeeze3A_163 = vector.extract %slice3A_162[0] : i32 from vector<1xi32>
      %mul3A_164 = arith.constant 16 : i32
      %mul3A_165 = arith.muli %add3A_34, %mul3A_164 : i32
      %add3A_166 = arith.constant 9 : i32
      %add3A_167 = arith.addi %mul3A_165, %add3A_166 : i32
      %dma_start3A_168 = arith.constant 0 : i32
      %dma_start3A_169 = tpu.memref_slice %arg6[%add3A_167, %dma_start3A_168] : memref<512x64xf32, #tpu.memory_space<vmem>> -> memref<1x64xf32, #tpu.memory_space<vmem>>
      %dma_start3A_170 = arith.constant 0 : i32
      %dma_start3A_171 = tpu.memref_slice %arg3[%squeeze3A_163, %dma_start3A_170] : memref<1000000x64xf32, #tpu.memory_space<hbm>> -> memref<1x64xf32, #tpu.memory_space<hbm>>
      %dma_start3A_172 = arith.constant 0 : i32
      %dma_start3A_173 = tpu.memref_slice %arg6[%add3A_167, %dma_start3A_172] : memref<512x64xf32, #tpu.memory_space<vmem>> -> memref<1x64xf32, #tpu.memory_space<vmem>>
      %dma_start3A_174 = arith.constant 0 : i32
      %dma_start3A_175 = tpu.memref_slice %arg3[%squeeze3A_163, %dma_start3A_174] : memref<1000000x64xf32, #tpu.memory_space<hbm>> -> memref<1x64xf32, #tpu.memory_space<hbm>>
      tpu.enqueue_dma source(%dma_start3A_175 : memref<1x64xf32, #tpu.memory_space<hbm>>) target(%dma_start3A_173 : memref<1x64xf32, #tpu.memory_space<vmem>>) target_semaphore(%arg8 : memref<!tpu.dma_semaphore, #tpu.memory_space<semaphore_mem>>)
      %slice3A_176 = vector.extract_strided_slice %get3A_38 {offsets = [10], sizes = [1], strides = [1]} : vector<16xi32> to vector<1xi32>
      %squeeze3A_177 = vector.extract %slice3A_176[0] : i32 from vector<1xi32>
      %mul3A_178 = arith.constant 16 : i32
      %mul3A_179 = arith.muli %add3A_34, %mul3A_178 : i32
      %add3A_180 = arith.constant 10 : i32
      %add3A_181 = arith.addi %mul3A_179, %add3A_180 : i32
      %dma_start3A_182 = arith.constant 0 : i32
      %dma_start3A_183 = tpu.memref_slice %arg6[%add3A_181, %dma_start3A_182] : memref<512x64xf32, #tpu.memory_space<vmem>> -> memref<1x64xf32, #tpu.memory_space<vmem>>
      %dma_start3A_184 = arith.constant 0 : i32
      %dma_start3A_185 = tpu.memref_slice %arg3[%squeeze3A_177, %dma_start3A_184] : memref<1000000x64xf32, #tpu.memory_space<hbm>> -> memref<1x64xf32, #tpu.memory_space<hbm>>
      %dma_start3A_186 = arith.constant 0 : i32
      %dma_start3A_187 = tpu.memref_slice %arg6[%add3A_181, %dma_start3A_186] : memref<512x64xf32, #tpu.memory_space<vmem>> -> memref<1x64xf32, #tpu.memory_space<vmem>>
      %dma_start3A_188 = arith.constant 0 : i32
      %dma_start3A_189 = tpu.memref_slice %arg3[%squeeze3A_177, %dma_start3A_188] : memref<1000000x64xf32, #tpu.memory_space<hbm>> -> memref<1x64xf32, #tpu.memory_space<hbm>>
      tpu.enqueue_dma source(%dma_start3A_189 : memref<1x64xf32, #tpu.memory_space<hbm>>) target(%dma_start3A_187 : memref<1x64xf32, #tpu.memory_space<vmem>>) target_semaphore(%arg7 : memref<!tpu.dma_semaphore, #tpu.memory_space<semaphore_mem>>)
      %slice3A_190 = vector.extract_strided_slice %get3A_38 {offsets = [11], sizes = [1], strides = [1]} : vector<16xi32> to vector<1xi32>
      %squeeze3A_191 = vector.extract %slice3A_190[0] : i32 from vector<1xi32>
      %mul3A_192 = arith.constant 16 : i32
      %mul3A_193 = arith.muli %add3A_34, %mul3A_192 : i32
      %add3A_194 = arith.constant 11 : i32
      %add3A_195 = arith.addi %mul3A_193, %add3A_194 : i32
      %dma_start3A_196 = arith.constant 0 : i32
      %dma_start3A_197 = tpu.memref_slice %arg6[%add3A_195, %dma_start3A_196] : memref<512x64xf32, #tpu.memory_space<vmem>> -> memref<1x64xf32, #tpu.memory_space<vmem>>
      %dma_start3A_198 = arith.constant 0 : i32
      %dma_start3A_199 = tpu.memref_slice %arg3[%squeeze3A_191, %dma_start3A_198] : memref<1000000x64xf32, #tpu.memory_space<hbm>> -> memref<1x64xf32, #tpu.memory_space<hbm>>
      %dma_start3A_200 = arith.constant 0 : i32
      %dma_start3A_201 = tpu.memref_slice %arg6[%add3A_195, %dma_start3A_200] : memref<512x64xf32, #tpu.memory_space<vmem>> -> memref<1x64xf32, #tpu.memory_space<vmem>>
      %dma_start3A_202 = arith.constant 0 : i32
      %dma_start3A_203 = tpu.memref_slice %arg3[%squeeze3A_191, %dma_start3A_202] : memref<1000000x64xf32, #tpu.memory_space<hbm>> -> memref<1x64xf32, #tpu.memory_space<hbm>>
      tpu.enqueue_dma source(%dma_start3A_203 : memref<1x64xf32, #tpu.memory_space<hbm>>) target(%dma_start3A_201 : memref<1x64xf32, #tpu.memory_space<vmem>>) target_semaphore(%arg8 : memref<!tpu.dma_semaphore, #tpu.memory_space<semaphore_mem>>)
      %slice3A_204 = vector.extract_strided_slice %get3A_38 {offsets = [12], sizes = [1], strides = [1]} : vector<16xi32> to vector<1xi32>
      %squeeze3A_205 = vector.extract %slice3A_204[0] : i32 from vector<1xi32>
      %mul3A_206 = arith.constant 16 : i32
      %mul3A_207 = arith.muli %add3A_34, %mul3A_206 : i32
      %add3A_208 = arith.constant 12 : i32
      %add3A_209 = arith.addi %mul3A_207, %add3A_208 : i32
      %dma_start3A_210 = arith.constant 0 : i32
      %dma_start3A_211 = tpu.memref_slice %arg6[%add3A_209, %dma_start3A_210] : memref<512x64xf32, #tpu.memory_space<vmem>> -> memref<1x64xf32, #tpu.memory_space<vmem>>
      %dma_start3A_212 = arith.constant 0 : i32
      %dma_start3A_213 = tpu.memref_slice %arg3[%squeeze3A_205, %dma_start3A_212] : memref<1000000x64xf32, #tpu.memory_space<hbm>> -> memref<1x64xf32, #tpu.memory_space<hbm>>
      %dma_start3A_214 = arith.constant 0 : i32
      %dma_start3A_215 = tpu.memref_slice %arg6[%add3A_209, %dma_start3A_214] : memref<512x64xf32, #tpu.memory_space<vmem>> -> memref<1x64xf32, #tpu.memory_space<vmem>>
      %dma_start3A_216 = arith.constant 0 : i32
      %dma_start3A_217 = tpu.memref_slice %arg3[%squeeze3A_205, %dma_start3A_216] : memref<1000000x64xf32, #tpu.memory_space<hbm>> -> memref<1x64xf32, #tpu.memory_space<hbm>>
      tpu.enqueue_dma source(%dma_start3A_217 : memref<1x64xf32, #tpu.memory_space<hbm>>) target(%dma_start3A_215 : memref<1x64xf32, #tpu.memory_space<vmem>>) target_semaphore(%arg7 : memref<!tpu.dma_semaphore, #tpu.memory_space<semaphore_mem>>)
      %slice3A_218 = vector.extract_strided_slice %get3A_38 {offsets = [13], sizes = [1], strides = [1]} : vector<16xi32> to vector<1xi32>
      %squeeze3A_219 = vector.extract %slice3A_218[0] : i32 from vector<1xi32>
      %mul3A_220 = arith.constant 16 : i32
      %mul3A_221 = arith.muli %add3A_34, %mul3A_220 : i32
      %add3A_222 = arith.constant 13 : i32
      %add3A_223 = arith.addi %mul3A_221, %add3A_222 : i32
      %dma_start3A_224 = arith.constant 0 : i32
      %dma_start3A_225 = tpu.memref_slice %arg6[%add3A_223, %dma_start3A_224] : memref<512x64xf32, #tpu.memory_space<vmem>> -> memref<1x64xf32, #tpu.memory_space<vmem>>
      %dma_start3A_226 = arith.constant 0 : i32
      %dma_start3A_227 = tpu.memref_slice %arg3[%squeeze3A_219, %dma_start3A_226] : memref<1000000x64xf32, #tpu.memory_space<hbm>> -> memref<1x64xf32, #tpu.memory_space<hbm>>
      %dma_start3A_228 = arith.constant 0 : i32
      %dma_start3A_229 = tpu.memref_slice %arg6[%add3A_223, %dma_start3A_228] : memref<512x64xf32, #tpu.memory_space<vmem>> -> memref<1x64xf32, #tpu.memory_space<vmem>>
      %dma_start3A_230 = arith.constant 0 : i32
      %dma_start3A_231 = tpu.memref_slice %arg3[%squeeze3A_219, %dma_start3A_230] : memref<1000000x64xf32, #tpu.memory_space<hbm>> -> memref<1x64xf32, #tpu.memory_space<hbm>>
      tpu.enqueue_dma source(%dma_start3A_231 : memref<1x64xf32, #tpu.memory_space<hbm>>) target(%dma_start3A_229 : memref<1x64xf32, #tpu.memory_space<vmem>>) target_semaphore(%arg8 : memref<!tpu.dma_semaphore, #tpu.memory_space<semaphore_mem>>)
      %slice3A_232 = vector.extract_strided_slice %get3A_38 {offsets = [14], sizes = [1], strides = [1]} : vector<16xi32> to vector<1xi32>
      %squeeze3A_233 = vector.extract %slice3A_232[0] : i32 from vector<1xi32>
      %mul3A_234 = arith.constant 16 : i32
      %mul3A_235 = arith.muli %add3A_34, %mul3A_234 : i32
      %add3A_236 = arith.constant 14 : i32
      %add3A_237 = arith.addi %mul3A_235, %add3A_236 : i32
      %dma_start3A_238 = arith.constant 0 : i32
      %dma_start3A_239 = tpu.memref_slice %arg6[%add3A_237, %dma_start3A_238] : memref<512x64xf32, #tpu.memory_space<vmem>> -> memref<1x64xf32, #tpu.memory_space<vmem>>
      %dma_start3A_240 = arith.constant 0 : i32
      %dma_start3A_241 = tpu.memref_slice %arg3[%squeeze3A_233, %dma_start3A_240] : memref<1000000x64xf32, #tpu.memory_space<hbm>> -> memref<1x64xf32, #tpu.memory_space<hbm>>
      %dma_start3A_242 = arith.constant 0 : i32
      %dma_start3A_243 = tpu.memref_slice %arg6[%add3A_237, %dma_start3A_242] : memref<512x64xf32, #tpu.memory_space<vmem>> -> memref<1x64xf32, #tpu.memory_space<vmem>>
      %dma_start3A_244 = arith.constant 0 : i32
      %dma_start3A_245 = tpu.memref_slice %arg3[%squeeze3A_233, %dma_start3A_244] : memref<1000000x64xf32, #tpu.memory_space<hbm>> -> memref<1x64xf32, #tpu.memory_space<hbm>>
      tpu.enqueue_dma source(%dma_start3A_245 : memref<1x64xf32, #tpu.memory_space<hbm>>) target(%dma_start3A_243 : memref<1x64xf32, #tpu.memory_space<vmem>>) target_semaphore(%arg7 : memref<!tpu.dma_semaphore, #tpu.memory_space<semaphore_mem>>)
      %slice3A_246 = vector.extract_strided_slice %get3A_38 {offsets = [15], sizes = [1], strides = [1]} : vector<16xi32> to vector<1xi32>
      %squeeze3A_247 = vector.extract %slice3A_246[0] : i32 from vector<1xi32>
      %mul3A_248 = arith.constant 16 : i32
      %mul3A_249 = arith.muli %add3A_34, %mul3A_248 : i32
      %add3A_250 = arith.constant 15 : i32
      %add3A_251 = arith.addi %mul3A_249, %add3A_250 : i32
      %dma_start3A_252 = arith.constant 0 : i32
      %dma_start3A_253 = tpu.memref_slice %arg6[%add3A_251, %dma_start3A_252] : memref<512x64xf32, #tpu.memory_space<vmem>> -> memref<1x64xf32, #tpu.memory_space<vmem>>
      %dma_start3A_254 = arith.constant 0 : i32
      %dma_start3A_255 = tpu.memref_slice %arg3[%squeeze3A_247, %dma_start3A_254] : memref<1000000x64xf32, #tpu.memory_space<hbm>> -> memref<1x64xf32, #tpu.memory_space<hbm>>
      %dma_start3A_256 = arith.constant 0 : i32
      %dma_start3A_257 = tpu.memref_slice %arg6[%add3A_251, %dma_start3A_256] : memref<512x64xf32, #tpu.memory_space<vmem>> -> memref<1x64xf32, #tpu.memory_space<vmem>>
      %dma_start3A_258 = arith.constant 0 : i32
      %dma_start3A_259 = tpu.memref_slice %arg3[%squeeze3A_247, %dma_start3A_258] : memref<1000000x64xf32, #tpu.memory_space<hbm>> -> memref<1x64xf32, #tpu.memory_space<hbm>>
      tpu.enqueue_dma source(%dma_start3A_259 : memref<1x64xf32, #tpu.memory_space<hbm>>) target(%dma_start3A_257 : memref<1x64xf32, #tpu.memory_space<vmem>>) target_semaphore(%arg8 : memref<!tpu.dma_semaphore, #tpu.memory_space<semaphore_mem>>)
      %scan3A_260 = arith.constant 1 : i32
      %scan3A_261 = arith.addi %scan3A_30, %scan3A_260 : i32
      %mul3A_262 = arith.constant 1 : i32
      %mul3A_263 = arith.muli %scan3A_261, %mul3A_262 : i32
      %add3A_264 = arith.constant 0 : i32
      %add3A_265 = arith.addi %add3A_264, %mul3A_263 : i32
      %mul3A_266 = arith.constant 16 : i32
      %mul3A_267 = arith.muli %add3A_265, %mul3A_266 : i32
      %get3A_268 = arith.index_cast %mul3A_267 : i32 to index
      %get3A_269 = tpu.vector_load %arg5[%get3A_268] {strides = array<i32>} : memref<512xi32, #tpu.memory_space<vmem>>, vector<16xi32>,
      %get3A_270 = vector.shape_cast %get3A_269 : vector<16xi32> to vector<16xi32>
      %slice3A_271 = vector.extract_strided_slice %get3A_270 {offsets = [0], sizes = [1], strides = [1]} : vector<16xi32> to vector<1xi32>
      %squeeze3A_272 = vector.extract %slice3A_271[0] : i32 from vector<1xi32>
      %mul3A_273 = arith.constant 16 : i32
      %mul3A_274 = arith.muli %add3A_265, %mul3A_273 : i32
      %add3A_275 = arith.constant 0 : i32
      %add3A_276 = arith.addi %mul3A_274, %add3A_275 : i32
      %dma_start3A_277 = arith.constant 0 : i32
      %dma_start3A_278 = tpu.memref_slice %arg6[%add3A_276, %dma_start3A_277] : memref<512x64xf32, #tpu.memory_space<vmem>> -> memref<1x64xf32, #tpu.memory_space<vmem>>
      %dma_start3A_279 = arith.constant 0 : i32
      %dma_start3A_280 = tpu.memref_slice %arg3[%squeeze3A_272, %dma_start3A_279] : memref<1000000x64xf32, #tpu.memory_space<hbm>> -> memref<1x64xf32, #tpu.memory_space<hbm>>
      %dma_start3A_281 = arith.constant 0 : i32
      %dma_start3A_282 = tpu.memref_slice %arg6[%add3A_276, %dma_start3A_281] : memref<512x64xf32, #tpu.memory_space<vmem>> -> memref<1x64xf32, #tpu.memory_space<vmem>>
      %dma_start3A_283 = arith.constant 0 : i32
      %dma_start3A_284 = tpu.memref_slice %arg3[%squeeze3A_272, %dma_start3A_283] : memref<1000000x64xf32, #tpu.memory_space<hbm>> -> memref<1x64xf32, #tpu.memory_space<hbm>>
      tpu.enqueue_dma source(%dma_start3A_284 : memref<1x64xf32, #tpu.memory_space<hbm>>) target(%dma_start3A_282 : memref<1x64xf32, #tpu.memory_space<vmem>>) target_semaphore(%arg7 : memref<!tpu.dma_semaphore, #tpu.memory_space<semaphore_mem>>)
      %slice3A_285 = vector.extract_strided_slice %get3A_270 {offsets = [1], sizes = [1], strides = [1]} : vector<16xi32> to vector<1xi32>
      %squeeze3A_286 = vector.extract %slice3A_285[0] : i32 from vector<1xi32>
      %mul3A_287 = arith.constant 16 : i32
      %mul3A_288 = arith.muli %add3A_265, %mul3A_287 : i32
      %add3A_289 = arith.constant 1 : i32
      %add3A_290 = arith.addi %mul3A_288, %add3A_289 : i32
      %dma_start3A_291 = arith.constant 0 : i32
      %dma_start3A_292 = tpu.memref_slice %arg6[%add3A_290, %dma_start3A_291] : memref<512x64xf32, #tpu.memory_space<vmem>> -> memref<1x64xf32, #tpu.memory_space<vmem>>
      %dma_start3A_293 = arith.constant 0 : i32
      %dma_start3A_294 = tpu.memref_slice %arg3[%squeeze3A_286, %dma_start3A_293] : memref<1000000x64xf32, #tpu.memory_space<hbm>> -> memref<1x64xf32, #tpu.memory_space<hbm>>
      %dma_start3A_295 = arith.constant 0 : i32
      %dma_start3A_296 = tpu.memref_slice %arg6[%add3A_290, %dma_start3A_295] : memref<512x64xf32, #tpu.memory_space<vmem>> -> memref<1x64xf32, #tpu.memory_space<vmem>>
      %dma_start3A_297 = arith.constant 0 : i32
      %dma_start3A_298 = tpu.memref_slice %arg3[%squeeze3A_286, %dma_start3A_297] : memref<1000000x64xf32, #tpu.memory_space<hbm>> -> memref<1x64xf32, #tpu.memory_space<hbm>>
      tpu.enqueue_dma source(%dma_start3A_298 : memref<1x64xf32, #tpu.memory_space<hbm>>) target(%dma_start3A_296 : memref<1x64xf32, #tpu.memory_space<vmem>>) target_semaphore(%arg8 : memref<!tpu.dma_semaphore, #tpu.memory_space<semaphore_mem>>)
      %slice3A_299 = vector.extract_strided_slice %get3A_270 {offsets = [2], sizes = [1], strides = [1]} : vector<16xi32> to vector<1xi32>
      %squeeze3A_300 = vector.extract %slice3A_299[0] : i32 from vector<1xi32>
      %mul3A_301 = arith.constant 16 : i32
      %mul3A_302 = arith.muli %add3A_265, %mul3A_301 : i32
      %add3A_303 = arith.constant 2 : i32
      %add3A_304 = arith.addi %mul3A_302, %add3A_303 : i32
      %dma_start3A_305 = arith.constant 0 : i32
      %dma_start3A_306 = tpu.memref_slice %arg6[%add3A_304, %dma_start3A_305] : memref<512x64xf32, #tpu.memory_space<vmem>> -> memref<1x64xf32, #tpu.memory_space<vmem>>
      %dma_start3A_307 = arith.constant 0 : i32
      %dma_start3A_308 = tpu.memref_slice %arg3[%squeeze3A_300, %dma_start3A_307] : memref<1000000x64xf32, #tpu.memory_space<hbm>> -> memref<1x64xf32, #tpu.memory_space<hbm>>
      %dma_start3A_309 = arith.constant 0 : i32
      %dma_start3A_310 = tpu.memref_slice %arg6[%add3A_304, %dma_start3A_309] : memref<512x64xf32, #tpu.memory_space<vmem>> -> memref<1x64xf32, #tpu.memory_space<vmem>>
      %dma_start3A_311 = arith.constant 0 : i32
      %dma_start3A_312 = tpu.memref_slice %arg3[%squeeze3A_300, %dma_start3A_311] : memref<1000000x64xf32, #tpu.memory_space<hbm>> -> memref<1x64xf32, #tpu.memory_space<hbm>>
      tpu.enqueue_dma source(%dma_start3A_312 : memref<1x64xf32, #tpu.memory_space<hbm>>) target(%dma_start3A_310 : memref<1x64xf32, #tpu.memory_space<vmem>>) target_semaphore(%arg7 : memref<!tpu.dma_semaphore, #tpu.memory_space<semaphore_mem>>)
      %slice3A_313 = vector.extract_strided_slice %get3A_270 {offsets = [3], sizes = [1], strides = [1]} : vector<16xi32> to vector<1xi32>
      %squeeze3A_314 = vector.extract %slice3A_313[0] : i32 from vector<1xi32>
      %mul3A_315 = arith.constant 16 : i32
      %mul3A_316 = arith.muli %add3A_265, %mul3A_315 : i32
      %add3A_317 = arith.constant 3 : i32
      %add3A_318 = arith.addi %mul3A_316, %add3A_317 : i32
      %dma_start3A_319 = arith.constant 0 : i32
      %dma_start3A_320 = tpu.memref_slice %arg6[%add3A_318, %dma_start3A_319] : memref<512x64xf32, #tpu.memory_space<vmem>> -> memref<1x64xf32, #tpu.memory_space<vmem>>
      %dma_start3A_321 = arith.constant 0 : i32
      %dma_start3A_322 = tpu.memref_slice %arg3[%squeeze3A_314, %dma_start3A_321] : memref<1000000x64xf32, #tpu.memory_space<hbm>> -> memref<1x64xf32, #tpu.memory_space<hbm>>
      %dma_start3A_323 = arith.constant 0 : i32
      %dma_start3A_324 = tpu.memref_slice %arg6[%add3A_318, %dma_start3A_323] : memref<512x64xf32, #tpu.memory_space<vmem>> -> memref<1x64xf32, #tpu.memory_space<vmem>>
      %dma_start3A_325 = arith.constant 0 : i32
      %dma_start3A_326 = tpu.memref_slice %arg3[%squeeze3A_314, %dma_start3A_325] : memref<1000000x64xf32, #tpu.memory_space<hbm>> -> memref<1x64xf32, #tpu.memory_space<hbm>>
      tpu.enqueue_dma source(%dma_start3A_326 : memref<1x64xf32, #tpu.memory_space<hbm>>) target(%dma_start3A_324 : memref<1x64xf32, #tpu.memory_space<vmem>>) target_semaphore(%arg8 : memref<!tpu.dma_semaphore, #tpu.memory_space<semaphore_mem>>)
      %slice3A_327 = vector.extract_strided_slice %get3A_270 {offsets = [4], sizes = [1], strides = [1]} : vector<16xi32> to vector<1xi32>
      %squeeze3A_328 = vector.extract %slice3A_327[0] : i32 from vector<1xi32>
      %mul3A_329 = arith.constant 16 : i32
      %mul3A_330 = arith.muli %add3A_265, %mul3A_329 : i32
      %add3A_331 = arith.constant 4 : i32
      %add3A_332 = arith.addi %mul3A_330, %add3A_331 : i32
      %dma_start3A_333 = arith.constant 0 : i32
      %dma_start3A_334 = tpu.memref_slice %arg6[%add3A_332, %dma_start3A_333] : memref<512x64xf32, #tpu.memory_space<vmem>> -> memref<1x64xf32, #tpu.memory_space<vmem>>
      %dma_start3A_335 = arith.constant 0 : i32
      %dma_start3A_336 = tpu.memref_slice %arg3[%squeeze3A_328, %dma_start3A_335] : memref<1000000x64xf32, #tpu.memory_space<hbm>> -> memref<1x64xf32, #tpu.memory_space<hbm>>
      %dma_start3A_337 = arith.constant 0 : i32
      %dma_start3A_338 = tpu.memref_slice %arg6[%add3A_332, %dma_start3A_337] : memref<512x64xf32, #tpu.memory_space<vmem>> -> memref<1x64xf32, #tpu.memory_space<vmem>>
      %dma_start3A_339 = arith.constant 0 : i32
      %dma_start3A_340 = tpu.memref_slice %arg3[%squeeze3A_328, %dma_start3A_339] : memref<1000000x64xf32, #tpu.memory_space<hbm>> -> memref<1x64xf32, #tpu.memory_space<hbm>>
      tpu.enqueue_dma source(%dma_start3A_340 : memref<1x64xf32, #tpu.memory_space<hbm>>) target(%dma_start3A_338 : memref<1x64xf32, #tpu.memory_space<vmem>>) target_semaphore(%arg7 : memref<!tpu.dma_semaphore, #tpu.memory_space<semaphore_mem>>)
      %slice3A_341 = vector.extract_strided_slice %get3A_270 {offsets = [5], sizes = [1], strides = [1]} : vector<16xi32> to vector<1xi32>
      %squeeze3A_342 = vector.extract %slice3A_341[0] : i32 from vector<1xi32>
      %mul3A_343 = arith.constant 16 : i32
      %mul3A_344 = arith.muli %add3A_265, %mul3A_343 : i32
      %add3A_345 = arith.constant 5 : i32
      %add3A_346 = arith.addi %mul3A_344, %add3A_345 : i32
      %dma_start3A_347 = arith.constant 0 : i32
      %dma_start3A_348 = tpu.memref_slice %arg6[%add3A_346, %dma_start3A_347] : memref<512x64xf32, #tpu.memory_space<vmem>> -> memref<1x64xf32, #tpu.memory_space<vmem>>
      %dma_start3A_349 = arith.constant 0 : i32
      %dma_start3A_350 = tpu.memref_slice %arg3[%squeeze3A_342, %dma_start3A_349] : memref<1000000x64xf32, #tpu.memory_space<hbm>> -> memref<1x64xf32, #tpu.memory_space<hbm>>
      %dma_start3A_351 = arith.constant 0 : i32
      %dma_start3A_352 = tpu.memref_slice %arg6[%add3A_346, %dma_start3A_351] : memref<512x64xf32, #tpu.memory_space<vmem>> -> memref<1x64xf32, #tpu.memory_space<vmem>>
      %dma_start3A_353 = arith.constant 0 : i32
      %dma_start3A_354 = tpu.memref_slice %arg3[%squeeze3A_342, %dma_start3A_353] : memref<1000000x64xf32, #tpu.memory_space<hbm>> -> memref<1x64xf32, #tpu.memory_space<hbm>>
      tpu.enqueue_dma source(%dma_start3A_354 : memref<1x64xf32, #tpu.memory_space<hbm>>) target(%dma_start3A_352 : memref<1x64xf32, #tpu.memory_space<vmem>>) target_semaphore(%arg8 : memref<!tpu.dma_semaphore, #tpu.memory_space<semaphore_mem>>)
      %slice3A_355 = vector.extract_strided_slice %get3A_270 {offsets = [6], sizes = [1], strides = [1]} : vector<16xi32> to vector<1xi32>
      %squeeze3A_356 = vector.extract %slice3A_355[0] : i32 from vector<1xi32>
      %mul3A_357 = arith.constant 16 : i32
      %mul3A_358 = arith.muli %add3A_265, %mul3A_357 : i32
      %add3A_359 = arith.constant 6 : i32
      %add3A_360 = arith.addi %mul3A_358, %add3A_359 : i32
      %dma_start3A_361 = arith.constant 0 : i32
      %dma_start3A_362 = tpu.memref_slice %arg6[%add3A_360, %dma_start3A_361] : memref<512x64xf32, #tpu.memory_space<vmem>> -> memref<1x64xf32, #tpu.memory_space<vmem>>
      %dma_start3A_363 = arith.constant 0 : i32
      %dma_start3A_364 = tpu.memref_slice %arg3[%squeeze3A_356, %dma_start3A_363] : memref<1000000x64xf32, #tpu.memory_space<hbm>> -> memref<1x64xf32, #tpu.memory_space<hbm>>
      %dma_start3A_365 = arith.constant 0 : i32
      %dma_start3A_366 = tpu.memref_slice %arg6[%add3A_360, %dma_start3A_365] : memref<512x64xf32, #tpu.memory_space<vmem>> -> memref<1x64xf32, #tpu.memory_space<vmem>>
      %dma_start3A_367 = arith.constant 0 : i32
      %dma_start3A_368 = tpu.memref_slice %arg3[%squeeze3A_356, %dma_start3A_367] : memref<1000000x64xf32, #tpu.memory_space<hbm>> -> memref<1x64xf32, #tpu.memory_space<hbm>>
      tpu.enqueue_dma source(%dma_start3A_368 : memref<1x64xf32, #tpu.memory_space<hbm>>) target(%dma_start3A_366 : memref<1x64xf32, #tpu.memory_space<vmem>>) target_semaphore(%arg7 : memref<!tpu.dma_semaphore, #tpu.memory_space<semaphore_mem>>)
      %slice3A_369 = vector.extract_strided_slice %get3A_270 {offsets = [7], sizes = [1], strides = [1]} : vector<16xi32> to vector<1xi32>
      %squeeze3A_370 = vector.extract %slice3A_369[0] : i32 from vector<1xi32>
      %mul3A_371 = arith.constant 16 : i32
      %mul3A_372 = arith.muli %add3A_265, %mul3A_371 : i32
      %add3A_373 = arith.constant 7 : i32
      %add3A_374 = arith.addi %mul3A_372, %add3A_373 : i32
      %dma_start3A_375 = arith.constant 0 : i32
      %dma_start3A_376 = tpu.memref_slice %arg6[%add3A_374, %dma_start3A_375] : memref<512x64xf32, #tpu.memory_space<vmem>> -> memref<1x64xf32, #tpu.memory_space<vmem>>
      %dma_start3A_377 = arith.constant 0 : i32
      %dma_start3A_378 = tpu.memref_slice %arg3[%squeeze3A_370, %dma_start3A_377] : memref<1000000x64xf32, #tpu.memory_space<hbm>> -> memref<1x64xf32, #tpu.memory_space<hbm>>
      %dma_start3A_379 = arith.constant 0 : i32
      %dma_start3A_380 = tpu.memref_slice %arg6[%add3A_374, %dma_start3A_379] : memref<512x64xf32, #tpu.memory_space<vmem>> -> memref<1x64xf32, #tpu.memory_space<vmem>>
      %dma_start3A_381 = arith.constant 0 : i32
      %dma_start3A_382 = tpu.memref_slice %arg3[%squeeze3A_370, %dma_start3A_381] : memref<1000000x64xf32, #tpu.memory_space<hbm>> -> memref<1x64xf32, #tpu.memory_space<hbm>>
      tpu.enqueue_dma source(%dma_start3A_382 : memref<1x64xf32, #tpu.memory_space<hbm>>) target(%dma_start3A_380 : memref<1x64xf32, #tpu.memory_space<vmem>>) target_semaphore(%arg8 : memref<!tpu.dma_semaphore, #tpu.memory_space<semaphore_mem>>)
      %slice3A_383 = vector.extract_strided_slice %get3A_270 {offsets = [8], sizes = [1], strides = [1]} : vector<16xi32> to vector<1xi32>
      %squeeze3A_384 = vector.extract %slice3A_383[0] : i32 from vector<1xi32>
      %mul3A_385 = arith.constant 16 : i32
      %mul3A_386 = arith.muli %add3A_265, %mul3A_385 : i32
      %add3A_387 = arith.constant 8 : i32
      %add3A_388 = arith.addi %mul3A_386, %add3A_387 : i32
      %dma_start3A_389 = arith.constant 0 : i32
      %dma_start3A_390 = tpu.memref_slice %arg6[%add3A_388, %dma_start3A_389] : memref<512x64xf32, #tpu.memory_space<vmem>> -> memref<1x64xf32, #tpu.memory_space<vmem>>
      %dma_start3A_391 = arith.constant 0 : i32
      %dma_start3A_392 = tpu.memref_slice %arg3[%squeeze3A_384, %dma_start3A_391] : memref<1000000x64xf32, #tpu.memory_space<hbm>> -> memref<1x64xf32, #tpu.memory_space<hbm>>
      %dma_start3A_393 = arith.constant 0 : i32
      %dma_start3A_394 = tpu.memref_slice %arg6[%add3A_388, %dma_start3A_393] : memref<512x64xf32, #tpu.memory_space<vmem>> -> memref<1x64xf32, #tpu.memory_space<vmem>>
      %dma_start3A_395 = arith.constant 0 : i32
      %dma_start3A_396 = tpu.memref_slice %arg3[%squeeze3A_384, %dma_start3A_395] : memref<1000000x64xf32, #tpu.memory_space<hbm>> -> memref<1x64xf32, #tpu.memory_space<hbm>>
      tpu.enqueue_dma source(%dma_start3A_396 : memref<1x64xf32, #tpu.memory_space<hbm>>) target(%dma_start3A_394 : memref<1x64xf32, #tpu.memory_space<vmem>>) target_semaphore(%arg7 : memref<!tpu.dma_semaphore, #tpu.memory_space<semaphore_mem>>)
      %slice3A_397 = vector.extract_strided_slice %get3A_270 {offsets = [9], sizes = [1], strides = [1]} : vector<16xi32> to vector<1xi32>
      %squeeze3A_398 = vector.extract %slice3A_397[0] : i32 from vector<1xi32>
      %mul3A_399 = arith.constant 16 : i32
      %mul3A_400 = arith.muli %add3A_265, %mul3A_399 : i32
      %add3A_401 = arith.constant 9 : i32
      %add3A_402 = arith.addi %mul3A_400, %add3A_401 : i32
      %dma_start3A_403 = arith.constant 0 : i32
      %dma_start3A_404 = tpu.memref_slice %arg6[%add3A_402, %dma_start3A_403] : memref<512x64xf32, #tpu.memory_space<vmem>> -> memref<1x64xf32, #tpu.memory_space<vmem>>
      %dma_start3A_405 = arith.constant 0 : i32
      %dma_start3A_406 = tpu.memref_slice %arg3[%squeeze3A_398, %dma_start3A_405] : memref<1000000x64xf32, #tpu.memory_space<hbm>> -> memref<1x64xf32, #tpu.memory_space<hbm>>
      %dma_start3A_407 = arith.constant 0 : i32
      %dma_start3A_408 = tpu.memref_slice %arg6[%add3A_402, %dma_start3A_407] : memref<512x64xf32, #tpu.memory_space<vmem>> -> memref<1x64xf32, #tpu.memory_space<vmem>>
      %dma_start3A_409 = arith.constant 0 : i32
      %dma_start3A_410 = tpu.memref_slice %arg3[%squeeze3A_398, %dma_start3A_409] : memref<1000000x64xf32, #tpu.memory_space<hbm>> -> memref<1x64xf32, #tpu.memory_space<hbm>>
      tpu.enqueue_dma source(%dma_start3A_410 : memref<1x64xf32, #tpu.memory_space<hbm>>) target(%dma_start3A_408 : memref<1x64xf32, #tpu.memory_space<vmem>>) target_semaphore(%arg8 : memref<!tpu.dma_semaphore, #tpu.memory_space<semaphore_mem>>)
      %slice3A_411 = vector.extract_strided_slice %get3A_270 {offsets = [10], sizes = [1], strides = [1]} : vector<16xi32> to vector<1xi32>
      %squeeze3A_412 = vector.extract %slice3A_411[0] : i32 from vector<1xi32>
      %mul3A_413 = arith.constant 16 : i32
      %mul3A_414 = arith.muli %add3A_265, %mul3A_413 : i32
      %add3A_415 = arith.constant 10 : i32
      %add3A_416 = arith.addi %mul3A_414, %add3A_415 : i32
      %dma_start3A_417 = arith.constant 0 : i32
      %dma_start3A_418 = tpu.memref_slice %arg6[%add3A_416, %dma_start3A_417] : memref<512x64xf32, #tpu.memory_space<vmem>> -> memref<1x64xf32, #tpu.memory_space<vmem>>
      %dma_start3A_419 = arith.constant 0 : i32
      %dma_start3A_420 = tpu.memref_slice %arg3[%squeeze3A_412, %dma_start3A_419] : memref<1000000x64xf32, #tpu.memory_space<hbm>> -> memref<1x64xf32, #tpu.memory_space<hbm>>
      %dma_start3A_421 = arith.constant 0 : i32
      %dma_start3A_422 = tpu.memref_slice %arg6[%add3A_416, %dma_start3A_421] : memref<512x64xf32, #tpu.memory_space<vmem>> -> memref<1x64xf32, #tpu.memory_space<vmem>>
      %dma_start3A_423 = arith.constant 0 : i32
      %dma_start3A_424 = tpu.memref_slice %arg3[%squeeze3A_412, %dma_start3A_423] : memref<1000000x64xf32, #tpu.memory_space<hbm>> -> memref<1x64xf32, #tpu.memory_space<hbm>>
      tpu.enqueue_dma source(%dma_start3A_424 : memref<1x64xf32, #tpu.memory_space<hbm>>) target(%dma_start3A_422 : memref<1x64xf32, #tpu.memory_space<vmem>>) target_semaphore(%arg7 : memref<!tpu.dma_semaphore, #tpu.memory_space<semaphore_mem>>)
      %slice3A_425 = vector.extract_strided_slice %get3A_270 {offsets = [11], sizes = [1], strides = [1]} : vector<16xi32> to vector<1xi32>
      %squeeze3A_426 = vector.extract %slice3A_425[0] : i32 from vector<1xi32>
      %mul3A_427 = arith.constant 16 : i32
      %mul3A_428 = arith.muli %add3A_265, %mul3A_427 : i32
      %add3A_429 = arith.constant 11 : i32
      %add3A_430 = arith.addi %mul3A_428, %add3A_429 : i32
      %dma_start3A_431 = arith.constant 0 : i32
      %dma_start3A_432 = tpu.memref_slice %arg6[%add3A_430, %dma_start3A_431] : memref<512x64xf32, #tpu.memory_space<vmem>> -> memref<1x64xf32, #tpu.memory_space<vmem>>
      %dma_start3A_433 = arith.constant 0 : i32
      %dma_start3A_434 = tpu.memref_slice %arg3[%squeeze3A_426, %dma_start3A_433] : memref<1000000x64xf32, #tpu.memory_space<hbm>> -> memref<1x64xf32, #tpu.memory_space<hbm>>
      %dma_start3A_435 = arith.constant 0 : i32
      %dma_start3A_436 = tpu.memref_slice %arg6[%add3A_430, %dma_start3A_435] : memref<512x64xf32, #tpu.memory_space<vmem>> -> memref<1x64xf32, #tpu.memory_space<vmem>>
      %dma_start3A_437 = arith.constant 0 : i32
      %dma_start3A_438 = tpu.memref_slice %arg3[%squeeze3A_426, %dma_start3A_437] : memref<1000000x64xf32, #tpu.memory_space<hbm>> -> memref<1x64xf32, #tpu.memory_space<hbm>>
      tpu.enqueue_dma source(%dma_start3A_438 : memref<1x64xf32, #tpu.memory_space<hbm>>) target(%dma_start3A_436 : memref<1x64xf32, #tpu.memory_space<vmem>>) target_semaphore(%arg8 : memref<!tpu.dma_semaphore, #tpu.memory_space<semaphore_mem>>)
      %slice3A_439 = vector.extract_strided_slice %get3A_270 {offsets = [12], sizes = [1], strides = [1]} : vector<16xi32> to vector<1xi32>
      %squeeze3A_440 = vector.extract %slice3A_439[0] : i32 from vector<1xi32>
      %mul3A_441 = arith.constant 16 : i32
      %mul3A_442 = arith.muli %add3A_265, %mul3A_441 : i32
      %add3A_443 = arith.constant 12 : i32
      %add3A_444 = arith.addi %mul3A_442, %add3A_443 : i32
      %dma_start3A_445 = arith.constant 0 : i32
      %dma_start3A_446 = tpu.memref_slice %arg6[%add3A_444, %dma_start3A_445] : memref<512x64xf32, #tpu.memory_space<vmem>> -> memref<1x64xf32, #tpu.memory_space<vmem>>
      %dma_start3A_447 = arith.constant 0 : i32
      %dma_start3A_448 = tpu.memref_slice %arg3[%squeeze3A_440, %dma_start3A_447] : memref<1000000x64xf32, #tpu.memory_space<hbm>> -> memref<1x64xf32, #tpu.memory_space<hbm>>
      %dma_start3A_449 = arith.constant 0 : i32
      %dma_start3A_450 = tpu.memref_slice %arg6[%add3A_444, %dma_start3A_449] : memref<512x64xf32, #tpu.memory_space<vmem>> -> memref<1x64xf32, #tpu.memory_space<vmem>>
      %dma_start3A_451 = arith.constant 0 : i32
      %dma_start3A_452 = tpu.memref_slice %arg3[%squeeze3A_440, %dma_start3A_451] : memref<1000000x64xf32, #tpu.memory_space<hbm>> -> memref<1x64xf32, #tpu.memory_space<hbm>>
      tpu.enqueue_dma source(%dma_start3A_452 : memref<1x64xf32, #tpu.memory_space<hbm>>) target(%dma_start3A_450 : memref<1x64xf32, #tpu.memory_space<vmem>>) target_semaphore(%arg7 : memref<!tpu.dma_semaphore, #tpu.memory_space<semaphore_mem>>)
      %slice3A_453 = vector.extract_strided_slice %get3A_270 {offsets = [13], sizes = [1], strides = [1]} : vector<16xi32> to vector<1xi32>
      %squeeze3A_454 = vector.extract %slice3A_453[0] : i32 from vector<1xi32>
      %mul3A_455 = arith.constant 16 : i32
      %mul3A_456 = arith.muli %add3A_265, %mul3A_455 : i32
      %add3A_457 = arith.constant 13 : i32
      %add3A_458 = arith.addi %mul3A_456, %add3A_457 : i32
      %dma_start3A_459 = arith.constant 0 : i32
      %dma_start3A_460 = tpu.memref_slice %arg6[%add3A_458, %dma_start3A_459] : memref<512x64xf32, #tpu.memory_space<vmem>> -> memref<1x64xf32, #tpu.memory_space<vmem>>
      %dma_start3A_461 = arith.constant 0 : i32
      %dma_start3A_462 = tpu.memref_slice %arg3[%squeeze3A_454, %dma_start3A_461] : memref<1000000x64xf32, #tpu.memory_space<hbm>> -> memref<1x64xf32, #tpu.memory_space<hbm>>
      %dma_start3A_463 = arith.constant 0 : i32
      %dma_start3A_464 = tpu.memref_slice %arg6[%add3A_458, %dma_start3A_463] : memref<512x64xf32, #tpu.memory_space<vmem>> -> memref<1x64xf32, #tpu.memory_space<vmem>>
      %dma_start3A_465 = arith.constant 0 : i32
      %dma_start3A_466 = tpu.memref_slice %arg3[%squeeze3A_454, %dma_start3A_465] : memref<1000000x64xf32, #tpu.memory_space<hbm>> -> memref<1x64xf32, #tpu.memory_space<hbm>>
      tpu.enqueue_dma source(%dma_start3A_466 : memref<1x64xf32, #tpu.memory_space<hbm>>) target(%dma_start3A_464 : memref<1x64xf32, #tpu.memory_space<vmem>>) target_semaphore(%arg8 : memref<!tpu.dma_semaphore, #tpu.memory_space<semaphore_mem>>)
      %slice3A_467 = vector.extract_strided_slice %get3A_270 {offsets = [14], sizes = [1], strides = [1]} : vector<16xi32> to vector<1xi32>
      %squeeze3A_468 = vector.extract %slice3A_467[0] : i32 from vector<1xi32>
      %mul3A_469 = arith.constant 16 : i32
      %mul3A_470 = arith.muli %add3A_265, %mul3A_469 : i32
      %add3A_471 = arith.constant 14 : i32
      %add3A_472 = arith.addi %mul3A_470, %add3A_471 : i32
      %dma_start3A_473 = arith.constant 0 : i32
      %dma_start3A_474 = tpu.memref_slice %arg6[%add3A_472, %dma_start3A_473] : memref<512x64xf32, #tpu.memory_space<vmem>> -> memref<1x64xf32, #tpu.memory_space<vmem>>
      %dma_start3A_475 = arith.constant 0 : i32
      %dma_start3A_476 = tpu.memref_slice %arg3[%squeeze3A_468, %dma_start3A_475] : memref<1000000x64xf32, #tpu.memory_space<hbm>> -> memref<1x64xf32, #tpu.memory_space<hbm>>
      %dma_start3A_477 = arith.constant 0 : i32
      %dma_start3A_478 = tpu.memref_slice %arg6[%add3A_472, %dma_start3A_477] : memref<512x64xf32, #tpu.memory_space<vmem>> -> memref<1x64xf32, #tpu.memory_space<vmem>>
      %dma_start3A_479 = arith.constant 0 : i32
      %dma_start3A_480 = tpu.memref_slice %arg3[%squeeze3A_468, %dma_start3A_479] : memref<1000000x64xf32, #tpu.memory_space<hbm>> -> memref<1x64xf32, #tpu.memory_space<hbm>>
      tpu.enqueue_dma source(%dma_start3A_480 : memref<1x64xf32, #tpu.memory_space<hbm>>) target(%dma_start3A_478 : memref<1x64xf32, #tpu.memory_space<vmem>>) target_semaphore(%arg7 : memref<!tpu.dma_semaphore, #tpu.memory_space<semaphore_mem>>)
      %slice3A_481 = vector.extract_strided_slice %get3A_270 {offsets = [15], sizes = [1], strides = [1]} : vector<16xi32> to vector<1xi32>
      %squeeze3A_482 = vector.extract %slice3A_481[0] : i32 from vector<1xi32>
      %mul3A_483 = arith.constant 16 : i32
      %mul3A_484 = arith.muli %add3A_265, %mul3A_483 : i32
      %add3A_485 = arith.constant 15 : i32
      %add3A_486 = arith.addi %mul3A_484, %add3A_485 : i32
      %dma_start3A_487 = arith.constant 0 : i32
      %dma_start3A_488 = tpu.memref_slice %arg6[%add3A_486, %dma_start3A_487] : memref<512x64xf32, #tpu.memory_space<vmem>> -> memref<1x64xf32, #tpu.memory_space<vmem>>
      %dma_start3A_489 = arith.constant 0 : i32
      %dma_start3A_490 = tpu.memref_slice %arg3[%squeeze3A_482, %dma_start3A_489] : memref<1000000x64xf32, #tpu.memory_space<hbm>> -> memref<1x64xf32, #tpu.memory_space<hbm>>
      %dma_start3A_491 = arith.constant 0 : i32
      %dma_start3A_492 = tpu.memref_slice %arg6[%add3A_486, %dma_start3A_491] : memref<512x64xf32, #tpu.memory_space<vmem>> -> memref<1x64xf32, #tpu.memory_space<vmem>>
      %dma_start3A_493 = arith.constant 0 : i32
      %dma_start3A_494 = tpu.memref_slice %arg3[%squeeze3A_482, %dma_start3A_493] : memref<1000000x64xf32, #tpu.memory_space<hbm>> -> memref<1x64xf32, #tpu.memory_space<hbm>>
      tpu.enqueue_dma source(%dma_start3A_494 : memref<1x64xf32, #tpu.memory_space<hbm>>) target(%dma_start3A_492 : memref<1x64xf32, #tpu.memory_space<vmem>>) target_semaphore(%arg8 : memref<!tpu.dma_semaphore, #tpu.memory_space<semaphore_mem>>)
    }
    %scan3A_6 = arith.constant 32 : i32
    %dma_wait3A = arith.constant 0 : i32
    %dma_wait3A_7 = arith.constant 0 : i32
    %dma_wait3A_8 = tpu.memref_slice %arg6[%dma_wait3A, %dma_wait3A_7] : memref<512x64xf32, #tpu.memory_space<vmem>> -> memref<256x64xf32, #tpu.memory_space<vmem>>
    %dma_wait3A_9 = arith.constant 0 : i32
    %dma_wait3A_10 = arith.constant 0 : i32
    %dma_wait3A_11 = tpu.memref_slice %arg3[%dma_wait3A_9, %dma_wait3A_10] : memref<1000000x64xf32, #tpu.memory_space<hbm>> -> memref<256x64xf32, #tpu.memory_space<hbm>>
    %dma_wait3A_12 = arith.constant 0 : i32
    %dma_wait3A_13 = arith.constant 0 : i32
    %dma_wait3A_14 = tpu.memref_slice %arg6[%dma_wait3A_12, %dma_wait3A_13] : memref<512x64xf32, #tpu.memory_space<vmem>> -> memref<256x64xf32, #tpu.memory_space<vmem>>
    %dma_wait3A_15 = arith.constant 0 : i32
    %dma_wait3A_16 = arith.constant 0 : i32
    %dma_wait3A_17 = tpu.memref_slice %arg3[%dma_wait3A_15, %dma_wait3A_16] : memref<1000000x64xf32, #tpu.memory_space<hbm>> -> memref<256x64xf32, #tpu.memory_space<hbm>>
    tpu.wait_dma2 semaphore(%arg7 : memref<!tpu.dma_semaphore, #tpu.memory_space<semaphore_mem>>) src(%dma_wait3A_17 : memref<256x64xf32, #tpu.memory_space<hbm>>) dst(%dma_wait3A_14 : memref<256x64xf32, #tpu.memory_space<vmem>>)
    %dma_wait3A_18 = arith.constant 0 : i32
    %dma_wait3A_19 = arith.constant 0 : i32
    %dma_wait3A_20 = tpu.memref_slice %arg6[%dma_wait3A_18, %dma_wait3A_19] : memref<512x64xf32, #tpu.memory_space<vmem>> -> memref<256x64xf32, #tpu.memory_space<vmem>>
    %dma_wait3A_21 = arith.constant 0 : i32
    %dma_wait3A_22 = arith.constant 0 : i32
    %dma_wait3A_23 = tpu.memref_slice %arg3[%dma_wait3A_21, %dma_wait3A_22] : memref<1000000x64xf32, #tpu.memory_space<hbm>> -> memref<256x64xf32, #tpu.memory_space<hbm>>
    %dma_wait3A_24 = arith.constant 0 : i32
    %dma_wait3A_25 = arith.constant 0 : i32
    %dma_wait3A_26 = tpu.memref_slice %arg6[%dma_wait3A_24, %dma_wait3A_25] : memref<512x64xf32, #tpu.memory_space<vmem>> -> memref<256x64xf32, #tpu.memory_space<vmem>>
    %dma_wait3A_27 = arith.constant 0 : i32
    %dma_wait3A_28 = arith.constant 0 : i32
    %dma_wait3A_29 = tpu.memref_slice %arg3[%dma_wait3A_27, %dma_wait3A_28] : memref<1000000x64xf32, #tpu.memory_space<hbm>> -> memref<256x64xf32, #tpu.memory_space<hbm>>
    tpu.wait_dma2 semaphore(%arg8 : memref<!tpu.dma_semaphore, #tpu.memory_space<semaphore_mem>>) src(%dma_wait3A_29 : memref<256x64xf32, #tpu.memory_space<hbm>>) dst(%dma_wait3A_26 : memref<256x64xf32, #tpu.memory_space<vmem>>)
    "tpu.region"() ({
      %run_scoped3A = tpu.sem_alloc : memref<!tpu.dma_semaphore, #tpu.memory_space<semaphore_mem>>
      %dma_start3A = arith.constant 0 : i32
      %dma_start3A_30 = tpu.memref_slice %arg4[%mul3A_2, %dma_start3A] : memref<16384x64xf32, #tpu.memory_space<hbm>> -> memref<512x64xf32, #tpu.memory_space<hbm>>
      %dma_start3A_31 = arith.constant 0 : i32
      %dma_start3A_32 = tpu.memref_slice %arg4[%mul3A_2, %dma_start3A_31] : memref<16384x64xf32, #tpu.memory_space<hbm>> -> memref<512x64xf32, #tpu.memory_space<hbm>>
      tpu.enqueue_dma source(%arg6 : memref<512x64xf32, #tpu.memory_space<vmem>>) target(%dma_start3A_32 : memref<512x64xf32, #tpu.memory_space<hbm>>) target_semaphore(%run_scoped3A : memref<!tpu.dma_semaphore, #tpu.memory_space<semaphore_mem>>)
      %dma_wait3A_33 = arith.constant 0 : i32
      %dma_wait3A_34 = tpu.memref_slice %arg4[%mul3A_2, %dma_wait3A_33] : memref<16384x64xf32, #tpu.memory_space<hbm>> -> memref<512x64xf32, #tpu.memory_space<hbm>>
      %dma_wait3A_35 = arith.constant 0 : i32
      %dma_wait3A_36 = tpu.memref_slice %arg4[%mul3A_2, %dma_wait3A_35] : memref<16384x64xf32, #tpu.memory_space<hbm>> -> memref<512x64xf32, #tpu.memory_space<hbm>>
      tpu.wait_dma2 semaphore(%run_scoped3A : memref<!tpu.dma_semaphore, #tpu.memory_space<semaphore_mem>>) src(%arg6 : memref<512x64xf32, #tpu.memory_space<vmem>>) dst(%dma_wait3A_36 : memref<512x64xf32, #tpu.memory_space<hbm>>)
      tpu.yield
    }) : () -> ()
    return
  }
}

</mosaic_0001>

<sc_bundles>
// kernel: kernel.3.cloned.1.call-start
scs
__scs_entry_jumppad:
0x0: {  	(pc) =	sbr.rel $0x88, $3  }
0x1: {  	(tag) =	ssettag $0x0;
	lr =	simm.s32 $0x1  }
0x2: {  	[smem:$0x3F9F] =	sst lr;
	_ =	strace $0xD0000000  }
0x3: {  	_ = 	snop  }
0x4: {  	_ = 	snop  }
0x5: {  	_ = 	snop  }
0x6: {  	_ = 	snop  }
0x7: {  	_ = 	snop  }
__scs_overlays_trampoline_lowered:
0x8: {  	[smem:$0x3FAE] =	sst s0  }
0x9: {  	[smem:$0x3FAF] =	sst s1  }
0xa: {  	[smem:$0x3FB0] =	sst s2  }
0xb: {  	[smem:$0x3FB1] =	sst s3  }
0xc: {  	[smem:$0x3FB2] =	sst s4  }
0xd: {  	[smem:$0x3FB3] =	sst s5  }
0xe: {  	[smem:$0x3FB4] =	sst s6  }
0xf: {  	[smem:$0x3FB5] =	sst s7  }
0x10: {  	[smem:$0x3FB6] =	sst s8  }
0x11: {  	[smem:$0x3FB7] =	sst s9;
	s0 =	simm.s32 @!p0 $0x0  }
0x12: {  	s1 =	sld [smem:$0x3F9D];
	s0 =	simm.s32 @p0 $0x1  }
0x13: {  	[smem:$0x3FB8] =	sst s0;
	s0 =	simm.s32 @!p1 $0x0  }
0x14: {  	s2 =	sld [smem:$0x3F9C];
	s0 =	simm.s32 @p1 $0x1  }
0x15: {  	[smem:$0x3FB9] =	sst s0;
	s0 =	simm.s32 @!p2 $0x0  }
0x16: {  	s3 =	sld [smem:$0x3FDB];
	s0 =	simm.s32 @p2 $0x1  }
0x17: {  	s4 =	simm.s32 $0x1BF5;
	[smem:$0x3FBB] =	sst s0  }
0x18: {  	s0 =	sld [smem:$0x3F9E];
	_ =	swait.ge [sflag:s4], $0x0  }
0x19: {  	s7 =	sld [smem:$0x3F9F]  }
0x1a: {  	s8 =	sadd.s32 $0xFFFFE003, lr  }
0x1b: {  	s9 =	sadd.s32 $0xFFFFFEF7, lr;
	s5 =	simm.s32 $0xFFFFFFFF;
	p2 =	slt.u32 s8, $0xFFFFF086  }
0x1c: {  	p1 =	slt.u32 s9, $0xF7A;
	s5 =	simm.s32 @!p2 $0x0  }
0x1d: {  	s5 =	simm.s32 @p1 $0x1;
	p0 =	seq.s32 s7, s2  }
0x1e: {  	s7 =	smul.u32 @!p0 $0xF7A, s2;
	p2 =	seq.s32 @!p0 s5, $0x0  }
0x1f: {  	s9 =	smul.u32 $0xF7A, s1;
	s8 =	simm.s32 @!p0 $0x1BF5;
	p2 =	por !p2, p0  }
0x20: {  	[sflag:s8] =	ssyncset.s32 @!p0 $0xFFFFF086;
	s6 =	sadd.s32 @!p0 s3, s7;
	s7 =	simm.s32 @!p0 $0x108  }
0x21: {  	s3 =	sadd.s32 s3, s9;
	s6 =	sadd.s32 @!p0 $0x88, s6;
	s7 =	simm.s32 @p2 $0x1082  }
0x22: {  	[simem:s7], [sflag:s8] =	dma.local @!p0 [hbm:s6], $0xF7A  }
0x23: {  	s9 =	sor.u32 $0xD0000000, s2;
	s6 =	simm.s32 $0x108;
	_ =	swait.ge @!p0 [sflag:s8], $0x0  }
0x24: {  	s3 =	sadd.s32 $0x88, s3;
	s6 =	simm.s32 @!p1 $0x1082;
	[sflag:s4] =	ssyncset.s32 $0xFFFFF086  }
0x25: {  	[simem:s6], [sflag:s4] =	dma.local [hbm:s3], $0xF7A  }
0x26: {  	[smem:$0x3F9F] =	sst s1;
	(tag) =	ssettag s2;
	_ =	strace s9  }
0x27: {  	s1 =	sld [smem:$0x3FAF]  }
0x28: {  	s2 =	sld [smem:$0x3FB0]  }
0x29: {  	s4 =	sld [smem:$0x3FB2]  }
0x2a: {  	p0 =	seq.s32 s5, $0x0;
	s5 =	sld [smem:$0x3FB3]  }
0x2b: {  	s6 =	sld [smem:$0x3FB4]  }
0x2c: {  	s7 =	sld [smem:$0x3FB5]  }
0x2d: {  	s3 =	simm.s32 $0x108;
	s8 =	sld [smem:$0x3FB6]  }
0x2e: {  	s3 =	simm.s32 @!p0 $0x1082;
	s9 =	sld [smem:$0x3FB7]  }
0x2f: {  	lr =	sadd.s32 s0, s3;
	s0 =	sld [smem:$0x3FAE]  }
0x30: {  	s3 =	sld [smem:$0x3FB1]  }
0x31: {  	[smem:$0x3FBA] =	sst s10  }
0x32: {  	s10 =	sld [smem:$0x3FB8];
	_ =	sdelay $0x3  }
0x33: {  	p0 =	seq.s32 s10, $0x1;
	s10 =	sld [smem:$0x3FBA];
	_ =	sdelay $0x3  }
0x34: {  	[smem:$0x3FBA] =	sst s10  }
0x35: {  	s10 =	sld [smem:$0x3FB9];
	_ =	sdelay $0x3  }
0x36: {  	p1 =	seq.s32 s10, $0x1;
	s10 =	sld [smem:$0x3FBA];
	_ =	sdelay $0x3  }
0x37: {  	[smem:$0x3FBA] =	sst s10  }
0x38: {  	s10 =	sld [smem:$0x3FBB]  }
0x39: {  	_ = 	snop;
	(pc) =	sbr.ind lr, $3  }
0x3a: {  	_ = 	snop  }
0x3b: {  	_ = 	snop  }
0x3c: {  	p2 =	seq.s32 s10, $0x1;
	s10 =	sld [smem:$0x3FBA]  }
0x3d: {  	_ =	shalt  }
0x3e: {  	_ =	shalt  }
0x3f: {  	_ =	shalt  }
0x40: {  	_ =	shalt  }
0x41: {  	_ =	shalt  }
0x42: {  	_ =	shalt  }
0x43: {  	_ =	shalt  }
0x44: {  	_ =	shalt  }
0x45: {  	_ =	shalt  }
0x46: {  	_ =	shalt  }
0x47: {  	_ =	shalt  }
0x48: {  	_ =	shalt  }
0x49: {  	_ =	shalt  }
0x4a: {  	_ =	shalt  }
0x4b: {  	_ =	shalt  }
0x4c: {  	_ =	shalt  }
0x4d: {  	_ =	shalt  }
0x4e: {  	_ =	shalt  }
0x4f: {  	_ =	shalt  }
0x50: {  	_ =	shalt  }
0x51: {  	_ =	shalt  }
0x52: {  	_ =	shalt  }
0x53: {  	_ =	shalt  }
0x54: {  	_ =	shalt  }
0x55: {  	_ =	shalt  }
0x56: {  	_ =	shalt  }
0x57: {  	_ =	shalt  }
0x58: {  	_ =	shalt  }
0x59: {  	_ =	shalt  }
0x5a: {  	_ =	shalt  }
0x5b: {  	_ =	shalt  }
0x5c: {  	_ =	shalt  }
0x5d: {  	_ =	shalt  }
0x5e: {  	_ =	shalt  }
0x5f: {  	_ =	shalt  }
0x60: {  	_ =	shalt  }
0x61: {  	_ =	shalt  }
0x62: {  	_ =	shalt  }
0x63: {  	_ =	shalt  }
0x64: {  	_ =	shalt  }
0x65: {  	_ =	shalt  }
0x66: {  	_ =	shalt  }
0x67: {  	_ =	shalt  }
0x68: {  	_ =	shalt  }
0x69: {  	_ =	shalt  }
0x6a: {  	_ =	shalt  }
0x6b: {  	_ =	shalt  }
0x6c: {  	_ =	shalt  }
0x6d: {  	_ =	shalt  }
0x6e: {  	_ =	shalt  }
0x6f: {  	_ =	shalt  }
0x70: {  	_ =	shalt  }
0x71: {  	_ =	shalt  }
0x72: {  	_ =	shalt  }
0x73: {  	_ =	shalt  }
0x74: {  	_ =	shalt  }
0x75: {  	_ =	shalt  }
0x76: {  	_ =	shalt  }
0x77: {  	_ =	shalt  }
0x78: {  	_ =	shalt  }
0x79: {  	_ =	shalt  }
0x7a: {  	_ =	shalt  }
0x7b: {  	_ =	shalt  }
0x7c: {  	_ =	shalt  }
0x7d: {  	_ =	shalt  }
0x7e: {  	_ =	shalt  }
0x7f: {  	_ =	shalt  }
0x80: {  	_ =	shalt  }
0x81: {  	_ =	shalt  }
0x82: {  	_ =	shalt  }
0x83: {  	_ =	shalt  }
0x84: {  	_ =	shalt  }
0x85: {  	_ =	shalt  }
0x86: {  	_ =	shalt  }
0x87: {  	_ =	shalt  }
.Lfunc_end0:
.L_simem_size_0:
called_computation_lowered:
.L_overlay_start_0:
0x88: {  	s2 =	sld [smem:$0x3FD9]  }
0x89: {  	s3 =	sld [smem:$0x3FFE];
	_ =	sdelay $0x1  }
0x8a: {  	s1 =	srdreg.scid  }
0x8b: {  	s0 =	sand.u32 $0x1, s1  }
0x8c: {  	s17 =	sshll.u32 s0, $0xA;
	s2 =	sadd.s32 s3, s2  }
0x8d: {  	s2 =	sadd.s32 s2, s17  }
0x8e: {  	[smem:$0x3FC6] =	sst s2  }
0x8f: {  	_ = 	snop  }
0x90: {  	s2 =	sld [smem:$0x3FC9];
	(tm) =	ssettm $0x1  }
0x91: {  	s18 =	sld [smem:$0x3FFB];
	_ =	sdelay $0x3  }
0x92: {  	_ =	strace s18  }
0x93: {  	s3 =	sld [smem:$0x3FFC];
	_ =	sdelay $0x3  }
0x94: {  	_ =	strace s3  }
0x95: {  	s3 =	sld [smem:$0x3FFD];
	_ =	sdelay $0x3  }
0x96: {  	_ =	strace s3  }
0x97: {  	_ =	strace $0x8FFFFFFF  }
0x98: {  	s19 =	sld [smem:$0x3FDB];
	_ =	sdelay $0x1  }
0x99: {  	s4 =	simm.s32 $_scs_section_size  }
0x9a: {  	s5 =	simm.s32 $_size__tile_overlayer_lowered;
	s6 =	simm.s32 $_tile_overlayer_lowered  }
0x9b: {  	s22 =	simm.s32 $0x1BFF;
	s21 =	sshll.u32 s6, $0x1;
	s3 =	sadd.s32 s4, s19  }
0x9c: {  	s7 =	simm.s32 $0x0;
	s20 =	sshll.u32 s5, $0x1;
	s5 =	sadd.s32 s21, s3  }
0x9d: {  	[timem:s7], [sflag:s22] =	dma.local [hbm:s5], s20  }
0x9e: {  	_ =	swait.ge [sflag:s22], s20  }
0x9f: {  	s4 =	ssub.s32 $0x0, s20;
	[sflag:s22] =	ssyncset.done $0x0  }
0xa0: {  	[sflag:s22] =	ssyncadd.s32 s4;
	_ =	sdelay $0x1  }
0xa1: {  	s23 =	simm.s32 $0x1B8B  }
0xa2: {  	_ =	swait.ge [sflag:s23], $0x1  }
0xa3: {  	[sflag:s23] =	ssyncset.done $0x0  }
0xa4: {  	s25 =	simm.s32 $0x1B8E;
	s24 =	sld [smem:$0x3FFE];
	[sflag:s23] =	ssyncadd.s32 $0xFFFFFFFF  }
0xa5: {  	s26 =	simm.s32 $execute0_lowered;
	[smem:$0x3FD2] =	sst s25  }
0xa6: {  	s5 =	sshll.u32 s26, $0x1;
	_ =	strace $0x80000046;
	[dreg:$0x1] =	wrdreg $0xFFFFFFFF  }
0xa7: {  	s28 =	simm.s32 $_size_execute0_lowered;
	s3 =	sadd.s32 s3, s5;
	[dreg:$0x0] =	wrdreg $0x0  }
0xa8: {  	s5 =	sshll.u32 s28, $0x1;
	[dreg:$0x2] =	wrdreg s3  }
0xa9: {  	[dreg:$0x3] =	wrdreg s5  }
0xaa: {  	[dreg:$0x4] =	wrdreg $0xC0  }
0xab: {  	_ =	task [dreg:s7], $0x5FFFF  }
0xac: {  	[dreg:$0x1] =	wrdreg $0xFFFFFFFF  }
0xad: {  	[dreg:$0x0] =	wrdreg $0x60  }
0xae: {  	[dreg:$0x2] =	wrdreg s2  }
0xaf: {  	[dreg:$0x3] =	wrdreg s24  }
0xb0: {  	[dreg:$0x4] =	wrdreg $0x9  }
0xb1: {  	_ =	task.clear_ibuf [dreg:s7], $0x5FFFF;
	_ =	strace $0x90000046  }
0xb2: {  	s29 =	simm.s32 $0x9;
	_ =	strace $0x80000048  }
0xb3: {  	_ =	swait.ge [sflag:s29], $0x1  }
0xb4: {  	[sflag:s29] =	ssyncadd.s32 $0xFFFFFFFF  }
0xb5: {  	_ =	strace $0x90000048  }
0xb6: {  	_ =	sfence  }
0xb7: {  	s30 =	sld [smem:$0x0];
	_ =	sdelay $0x2  }
0xb8: {  	s31 =	sshll.u32 s1, $0xD;
	s1 =	sshrl.u32 s1, $0x2  }
0xb9: {  	s3 =	sand.u32 $0x4000, s31;
	s1 =	sadd.s32 s1, s30  }
0xba: {  	s0 =	sor.u32 s3, s0;
	s1 =	sshll.u32 s1, $0x11  }
0xbb: {  	s0 =	sor.u32 s1, s0  }
0xbc: {  	s0 =	sadd.s32 $0x8F2B, s0  }
0xbd: {  	[sflag:s0] =	ssyncadd.remote.s32 $0x1  }
0xbe: {  	_ =	sfence.sel $0xFFFF  }
0xbf: {  	[dreg:$0x0] =	wrdreg $0xFFFFFFFF;
	(pc) =	sbr.abs _section_cstart, $3  }
0xc0: {  	[dreg:$0x1] =	wrdreg $0xFFFFFFFF  }
0xc1: {  	_ =	task.clear_ibuf [dreg:s7], $0x2FFFF;
	_ =	strace $0x9FFFFFFF  }
0xc2: {  	(tm) =	ssettm $0x7FFFFFFF  }
0xc3: {  	_ =	shalt  }
tec
execute0_lowered:
.L_overlay_start_1:
0x0: {  	(tag) =	ssettag $0x1  }
0x1: {  	s4 =	rddreg [dreg:$0x0]  }
0x2: {  	s5 =	rddreg [dreg:$0x1]  }
0x3: {  	s3 =	srdreg.scid;
	s2 =	simm.s32 $0x0;
	s1 =	stileid.u32  }
0x4: {  	s9 =	simm.s32 $0x2;
	s10 =	simm.s32 $0x200;
	s11 =	simm.s32 $0x0  }
0x5: {  	s6 =	sand.u32 $0x1, s3;
	[smem:$0x7FF] =	sst s2;
	s30 =	sshll.u32 s1, $0xA  }
0x6: {  	s3 =	sadd.s32 $0x400, s5;
	s7 =	sshll.u32 s6, $0x9;
	s6 =	ssub.s32 $0x2, s6  }
0x7: {  	_ =	strace $0x80000047;
	s7 =	sor.u32 s7, s30;
	s31 =	sshrl.u32 s6, $0x1  }
0x8: {  	s8 =	sshll.u32 s7, $0x4;
	s7 =	sshrl.u32 s7, $0x3;
	s6 =	ssub.s32 s6, s31  }
0x9: {  	s5 =	sadd.s32 s8, s5;
	s4 =	sadd.s32 s4, s7;
	s6 =	smax.u32 s6, $0x1  }
0xa: {  	s7 =	simm.s32 $0x3;
	s8 =	simm.s32 $0x1;
	s5 =	sadd.s32 $0xF42800, s5  }
.LBB2_1:
0xb: {  	[tilespmem:s2], [sflag:$0x3] =	stream.linear.gather [hbm4b:s4+s2], $0x200, $0x38;
	[tilespmem:$0x10200] =	vst v63  }
0xc: {  	_ =	swait.ge [sflag:s7], $0x200  }
0xd: {  	[sflag:s7] =	ssyncset.done $0x0  }
0xe: {  	s12 =	simm.s32 $0x10;
	[sflag:s7] =	ssyncadd.s32 $0xFFFFFE00  }
0xf: {  	v0 =	vld [tilespmem:s12+$0xFFFFFFF0];
	_ =	sdelay $0x4  }
0x10: {  	v0 =	vshll.u32 v0, $0x4  }
0x11: {  	(v2sf) =	vpush v0, $0x0  }
0x12: {  	(v2sf) =	vpush v0, $0x1  }
0x13: {  	(v2sf) =	vpush v0, $0x2;
	_ =	sdelay $0x1  }
0x14: {  	(v2sf) =	vpush v0, $0x3;
	_ =	sdelay $0x1  }
0x15: {  	(v2sf) =	vpush v0, $0x4;
	_ =	sdelay $0x1  }
0x16: {  	(v2sf) =	vpush v0, $0x5;
	_ =	sdelay $0x1  }
0x17: {  	(v2sf) =	vpush v0, $0x6  }
0x18: {  	s14 =	simm.s32 $0x800;
	s13 =	simm.s32 $0x880  }
0x19: {  	s17 =	simm.s32 $0x680;
	s16 =	simm.s32 $0x700;
	s15 =	simm.s32 $0x780;
	(v2sf) =	vpush v0, $0x7  }
0x1a: {  	s18 =	simm.s32 $0x500;
	s19 =	simm.s32 $0x580;
	s20 =	simm.s32 $0x600  }
0x1b: {  	s21 =	simm.s32 $0x380;
	s22 =	simm.s32 $0x400;
	s23 =	simm.s32 $0x480;
	(v2sf) =	vpush v0, $0x8  }
0x1c: {  	s24 =	simm.s32 $0x280;
	s25 =	simm.s32 $0x300;
	s26 =	spop (v2sf)  }
0x1d: {  	s28 =	simm.s32 $0x200;
	s26 =	sand.u32 $0x1FFFFFF0, s26;
	s29 =	spop (v2sf);
	(v2sf) =	vpush v0, $0x9  }
0x1e: {  	s26 =	sadd.s32 s3, s26;
	s29 =	sand.u32 $0x1FFFFFF0, s29;
	s30 =	spop (v2sf)  }
0x1f: {  	(v2sf) =	vpush v0, $0xA;
	[tilespmem:s28], [sflag:$0x1] =	stream.linear.gather [hbm4b:s26+s2], $0x80, $0x38;
	[tilespmem:$0x10200] =	vst v63  }
0x20: {  	s26 =	sadd.s32 s3, s29;
	s31 =	sand.u32 $0x1FFFFFF0, s30;
	s0 =	spop (v2sf)  }
0x21: {  	(v2sf) =	vpush v0, $0xB;
	[tilespmem:s24], [sflag:$0x2] =	stream.linear.gather [hbm4b:s26+s2], $0x80, $0x38;
	[tilespmem:$0x10200] =	vst v63  }
0x22: {  	s30 =	sadd.s32 s3, s31;
	s31 =	sand.u32 $0x1FFFFFF0, s0;
	s0 =	spop (v2sf)  }
0x23: {  	(v2sf) =	vpush v0, $0xC;
	[tilespmem:s25], [sflag:$0x1] =	stream.linear.gather [hbm4b:s30+s2], $0x80, $0x38;
	[tilespmem:$0x10200] =	vst v63  }
0x24: {  	s26 =	sadd.s32 s3, s31;
	s28 =	sand.u32 $0x1FFFFFF0, s0;
	s29 =	spop (v2sf)  }
0x25: {  	(v2sf) =	vpush v0, $0xD;
	[tilespmem:s21], [sflag:$0x2] =	stream.linear.gather [hbm4b:s26+s2], $0x80, $0x38;
	[tilespmem:$0x10200] =	vst v63  }
0x26: {  	s31 =	sand.u32 $0x1FFFFFF0, s29;
	s0 =	spop (v2sf);
	s30 =	sadd.s32 s3, s28  }
0x27: {  	(v2sf) =	vpush v0, $0xE;
	[tilespmem:s22], [sflag:$0x1] =	stream.linear.gather [hbm4b:s30+s2], $0x80, $0x38;
	[tilespmem:$0x10200] =	vst v63  }
0x28: {  	s24 =	sand.u32 $0x1FFFFFF0, s0;
	s25 =	spop (v2sf);
	s22 =	sadd.s32 s3, s31  }
0x29: {  	(v2sf) =	vpush v0, $0xF;
	[tilespmem:s23], [sflag:$0x2] =	stream.linear.gather [hbm4b:s22+s2], $0x80, $0x38;
	[tilespmem:$0x10200] =	vst v63  }
0x2a: {  	s28 =	sand.u32 $0x1FFFFFF0, s25;
	s29 =	spop (v2sf);
	s26 =	sadd.s32 s3, s24  }
0x2b: {  	[tilespmem:s18], [sflag:$0x1] =	stream.linear.gather [hbm4b:s26+s2], $0x80, $0x38;
	[tilespmem:$0x10200] =	vst v63  }
0x2c: {  	s30 =	sadd.s32 s3, s28;
	s31 =	sand.u32 $0x1FFFFFF0, s29;
	s0 =	spop (v2sf)  }
0x2d: {  	[tilespmem:s19], [sflag:$0x2] =	stream.linear.gather [hbm4b:s30+s2], $0x80, $0x38;
	[tilespmem:$0x10200] =	vst v63  }
0x2e: {  	s23 =	sadd.s32 s3, s31;
	s24 =	sand.u32 $0x1FFFFFF0, s0;
	s25 =	spop (v2sf)  }
0x2f: {  	[tilespmem:s20], [sflag:$0x1] =	stream.linear.gather [hbm4b:s23+s2], $0x80, $0x38;
	[tilespmem:$0x10200] =	vst v63  }
0x30: {  	s26 =	sadd.s32 s3, s24;
	s28 =	sand.u32 $0x1FFFFFF0, s25;
	s29 =	spop (v2sf)  }
0x31: {  	[tilespmem:s17], [sflag:$0x2] =	stream.linear.gather [hbm4b:s26+s2], $0x80, $0x38;
	[tilespmem:$0x10200] =	vst v63  }
0x32: {  	s30 =	sadd.s32 s3, s28;
	s31 =	sand.u32 $0x1FFFFFF0, s29;
	s0 =	spop (v2sf)  }
0x33: {  	[tilespmem:s16], [sflag:$0x1] =	stream.linear.gather [hbm4b:s30+s2], $0x80, $0x38;
	[tilespmem:$0x10200] =	vst v63  }
0x34: {  	s18 =	sand.u32 $0x1FFFFFF0, s0;
	s19 =	spop (v2sf);
	s17 =	sadd.s32 s3, s31  }
0x35: {  	[tilespmem:s15], [sflag:$0x2] =	stream.linear.gather [hbm4b:s17+s2], $0x80, $0x38;
	[tilespmem:$0x10200] =	vst v63  }
0x36: {  	s20 =	sadd.s32 s3, s18;
	s21 =	sand.u32 $0x1FFFFFF0, s19;
	s22 =	spop (v2sf)  }
0x37: {  	[tilespmem:s14], [sflag:$0x1] =	stream.linear.gather [hbm4b:s20+s2], $0x80, $0x38;
	[tilespmem:$0x10200] =	vst v63  }
0x38: {  	s23 =	sadd.s32 s3, s21;
	s24 =	sand.u32 $0x1FFFFFF0, s22;
	s25 =	spop (v2sf)  }
0x39: {  	[tilespmem:s13], [sflag:$0x2] =	stream.linear.gather [hbm4b:s23+s2], $0x80, $0x38;
	[tilespmem:$0x10200] =	vst v63  }
0x3a: {  	s26 =	simm.s32 $0x900;
	s28 =	sadd.s32 s3, s24;
	s29 =	sand.u32 $0x1FFFFFF0, s25  }
0x3b: {  	[tilespmem:s26], [sflag:$0x1] =	stream.linear.gather [hbm4b:s28+s2], $0x80, $0x38;
	[tilespmem:$0x10200] =	vst v63  }
0x3c: {  	s30 =	simm.s32 $0x980;
	s31 =	sadd.s32 s3, s29  }
0x3d: {  	[tilespmem:s30], [sflag:$0x2] =	stream.linear.gather [hbm4b:s31+s2], $0x80, $0x38;
	[tilespmem:$0x10200] =	vst v63  }
0x3e: {  	v63 =	vld [tilespmem:s12+$0x0];
	_ =	sdelay $0x4  }
0x3f: {  	v0 =	vshll.u32 v63, $0x4  }
0x40: {  	(v2sf) =	vpush v0, $0x0  }
0x41: {  	(v2sf) =	vpush v0, $0x1  }
0x42: {  	(v2sf) =	vpush v0, $0x2;
	_ =	sdelay $0x1  }
0x43: {  	(v2sf) =	vpush v0, $0x3;
	_ =	sdelay $0x1  }
0x44: {  	(v2sf) =	vpush v0, $0x4;
	_ =	sdelay $0x1  }
0x45: {  	(v2sf) =	vpush v0, $0x5;
	_ =	sdelay $0x1  }
0x46: {  	(v2sf) =	vpush v0, $0x6  }
0x47: {  	s0 =	simm.s32 $0xA00  }
0x48: {  	s18 =	simm.s32 $0xE80;
	s19 =	simm.s32 $0xC00;
	s21 =	simm.s32 $0xD00;
	(v2sf) =	vpush v0, $0x7  }
0x49: {  	s22 =	simm.s32 $0xB00;
	s16 =	simm.s32 $0xD80;
	s25 =	simm.s32 $0xA80  }
0x4a: {  	s17 =	simm.s32 $0xE00;
	s15 =	simm.s32 $0x1180;
	s14 =	simm.s32 $0xF00;
	(v2sf) =	vpush v0, $0x8  }
0x4b: {  	s20 =	simm.s32 $0xC80;
	s13 =	simm.s32 $0xF80;
	s26 =	spop (v2sf)  }
0x4c: {  	s23 =	simm.s32 $0xB80;
	(v2sf) =	vpush v0, $0x9;
	s24 =	sand.u32 $0x1FFFFFF0, s26;
	s28 =	spop (v2sf)  }
0x4d: {  	(v2sf) =	vpush v0, $0xA;
	s24 =	sadd.s32 s3, s24;
	s26 =	sand.u32 $0x1FFFFFF0, s28;
	s29 =	spop (v2sf)  }
0x4e: {  	[tilespmem:s0], [sflag:$0x1] =	stream.linear.gather [hbm4b:s24+s2], $0x80, $0x38;
	[tilespmem:$0x10200] =	vst v63  }
0x4f: {  	(v2sf) =	vpush v0, $0xB;
	s30 =	sadd.s32 s3, s26;
	s31 =	sand.u32 $0x1FFFFFF0, s29;
	s0 =	spop (v2sf)  }
0x50: {  	(v2sf) =	vpush v0, $0xC;
	[tilespmem:s25], [sflag:$0x2] =	stream.linear.gather [hbm4b:s30+s2], $0x80, $0x38;
	[tilespmem:$0x10200] =	vst v63  }
0x51: {  	s28 =	sand.u32 $0x1FFFFFF0, s0;
	s29 =	spop (v2sf);
	s25 =	sadd.s32 s3, s31  }
0x52: {  	[tilespmem:s22], [sflag:$0x1] =	stream.linear.gather [hbm4b:s25+s2], $0x80, $0x38;
	[tilespmem:$0x10200] =	vst v63  }
0x53: {  	s30 =	sadd.s32 s3, s28;
	s31 =	sand.u32 $0x1FFFFFF0, s29;
	s0 =	spop (v2sf)  }
0x54: {  	(v2sf) =	vpush v0, $0xD;
	[tilespmem:s23], [sflag:$0x2] =	stream.linear.gather [hbm4b:s30+s2], $0x80, $0x38;
	[tilespmem:$0x10200] =	vst v63  }
0x55: {  	s24 =	sand.u32 $0x1FFFFFF0, s0;
	s25 =	spop (v2sf);
	s23 =	sadd.s32 s3, s31  }
0x56: {  	(v2sf) =	vpush v0, $0xE;
	[tilespmem:s19], [sflag:$0x1] =	stream.linear.gather [hbm4b:s23+s2], $0x80, $0x38;
	[tilespmem:$0x10200] =	vst v63  }
0x57: {  	s26 =	sadd.s32 s3, s24;
	s28 =	sand.u32 $0x1FFFFFF0, s25;
	s29 =	spop (v2sf)  }
0x58: {  	(v2sf) =	vpush v0, $0xF;
	[tilespmem:s20], [sflag:$0x2] =	stream.linear.gather [hbm4b:s26+s2], $0x80, $0x38;
	[tilespmem:$0x10200] =	vst v63  }
0x59: {  	s30 =	sadd.s32 s3, s28;
	s31 =	sand.u32 $0x1FFFFFF0, s29;
	s0 =	spop (v2sf)  }
0x5a: {  	[tilespmem:s21], [sflag:$0x1] =	stream.linear.gather [hbm4b:s30+s2], $0x80, $0x38;
	[tilespmem:$0x10200] =	vst v63  }
0x5b: {  	s12 =	simm.s32 $0x1000;
	s19 =	sadd.s32 s3, s31;
	s22 =	spop (v2sf)  }
0x5c: {  	s21 =	sand.u32 $0x1FFFFFF0, s0;
	s24 =	sand.u32 $0x1FFFFFF0, s22;
	s25 =	spop (v2sf)  }
0x5d: {  	[tilespmem:s16], [sflag:$0x2] =	stream.linear.gather [hbm4b:s19+s2], $0x80, $0x38;
	[tilespmem:$0x10200] =	vst v63  }
0x5e: {  	s23 =	sadd.s32 s3, s21;
	s26 =	sadd.s32 s3, s24;
	s29 =	spop (v2sf)  }
0x5f: {  	s28 =	sand.u32 $0x1FFFFFF0, s25;
	s24 =	simm.s32 $0x1080;
	s0 =	spop (v2sf)  }
0x60: {  	[tilespmem:s17], [sflag:$0x1] =	stream.linear.gather [hbm4b:s23+s2], $0x80, $0x38;
	[tilespmem:$0x10200] =	vst v63  }
0x61: {  	s30 =	sadd.s32 s3, s28;
	s31 =	sand.u32 $0x1FFFFFF0, s29;
	s19 =	sand.u32 $0x1FFFFFF0, s0  }
0x62: {  	[tilespmem:s18], [sflag:$0x2] =	stream.linear.gather [hbm4b:s26+s2], $0x80, $0x38;
	[tilespmem:$0x10200] =	vst v63  }
0x63: {  	s29 =	simm.s32 $0x1100;
	s20 =	spop (v2sf);
	s21 =	sadd.s32 s3, s19  }
0x64: {  	[tilespmem:s14], [sflag:$0x1] =	stream.linear.gather [hbm4b:s30+s2], $0x80, $0x38;
	[tilespmem:$0x10200] =	vst v63  }
0x65: {  	s22 =	sand.u32 $0x1FFFFFF0, s20;
	s23 =	spop (v2sf);
	s18 =	sadd.s32 s3, s31  }
0x66: {  	[tilespmem:s13], [sflag:$0x2] =	stream.linear.gather [hbm4b:s18+s2], $0x80, $0x38;
	[tilespmem:$0x10200] =	vst v63  }
0x67: {  	s25 =	sadd.s32 s3, s22;
	s26 =	sand.u32 $0x1FFFFFF0, s23;
	s28 =	spop (v2sf)  }
0x68: {  	[tilespmem:s12], [sflag:$0x1] =	stream.linear.gather [hbm4b:s21+s2], $0x80, $0x38;
	[tilespmem:$0x10200] =	vst v63  }
0x69: {  	s30 =	sadd.s32 s3, s26;
	s31 =	sand.u32 $0x1FFFFFF0, s28;
	s14 =	simm.s32 $0x1A00  }
0x6a: {  	[tilespmem:s24], [sflag:$0x2] =	stream.linear.gather [hbm4b:s25+s2], $0x80, $0x38;
	[tilespmem:$0x10200] =	vst v63  }
0x6b: {  	s16 =	sadd.s32 s3, s31;
	s13 =	simm.s32 $0x30;
	s12 =	simm.s32 $0x0  }
0x6c: {  	[tilespmem:s29], [sflag:$0x1] =	stream.linear.gather [hbm4b:s30+s2], $0x80, $0x38;
	[tilespmem:$0x10200] =	vst v63  }
.LBB2_2:
0x6d: {  	[tilespmem:s15], [sflag:$0x2] =	stream.linear.gather [hbm4b:s16+s2], $0x80, $0x38;
	[tilespmem:$0x10200] =	vst v63  }
0x6e: {  	s12 =	sadd.s32 $0x2, s12  }
0x6f: {  	p0 =	slt.u32 s12, $0x1E;
	v0 =	vld [tilespmem:s13+$0xFFFFFFF0];
	_ =	sdelay $0x4  }
0x70: {  	v0 =	vshll.u32 v0, $0x4  }
0x71: {  	(v2sf) =	vpush v0, $0x0  }
0x72: {  	(v2sf) =	vpush v0, $0x1  }
0x73: {  	(v2sf) =	vpush v0, $0x2;
	_ =	sdelay $0x1  }
0x74: {  	(v2sf) =	vpush v0, $0x3;
	_ =	sdelay $0x1  }
0x75: {  	(v2sf) =	vpush v0, $0x4;
	_ =	sdelay $0x1  }
0x76: {  	(v2sf) =	vpush v0, $0x5;
	_ =	sdelay $0x1  }
0x77: {  	(v2sf) =	vpush v0, $0x6  }
0x78: {  	s16 =	sadd.s32 $0xFFFFFE00, s14;
	s15 =	sadd.s32 $0xFFFFFE80, s14  }
0x79: {  	s19 =	sadd.s32 $0xFFFFFC80, s14;
	s18 =	sadd.s32 $0xFFFFFD00, s14;
	s17 =	sadd.s32 $0xFFFFFD80, s14;
	(v2sf) =	vpush v0, $0x7  }
0x7a: {  	s22 =	sadd.s32 $0xFFFFFB00, s14;
	s21 =	sadd.s32 $0xFFFFFB80, s14;
	s20 =	sadd.s32 $0xFFFFFC00, s14  }
0x7b: {  	s23 =	sadd.s32 $0xFFFFF980, s14;
	s24 =	sadd.s32 $0xFFFFFA00, s14;
	s25 =	sadd.s32 $0xFFFFFA80, s14;
	(v2sf) =	vpush v0, $0x8  }
0x7c: {  	s26 =	sadd.s32 $0xFFFFF880, s14;
	s28 =	sadd.s32 $0xFFFFF900, s14;
	s29 =	spop (v2sf)  }
0x7d: {  	s30 =	sadd.s32 $0xFFFFF800, s14;
	s29 =	sand.u32 $0x1FFFFFF0, s29;
	s31 =	spop (v2sf);
	(v2sf) =	vpush v0, $0x9  }
0x7e: {  	s29 =	sadd.s32 s3, s29;
	s31 =	sand.u32 $0x1FFFFFF0, s31;
	s0 =	spop (v2sf)  }
0x7f: {  	[tilespmem:s30], [sflag:$0x1] =	stream.linear.gather [hbm4b:s29+s2], $0x80, $0x38;
	(v2sf) =	vpush v0, $0xA;
	[tilespmem:$0x10200] =	vst v63  }
0x80: {  	s29 =	sadd.s32 s3, s31;
	s0 =	sand.u32 $0x1FFFFFF0, s0;
	s30 =	spop (v2sf)  }
0x81: {  	[tilespmem:s26], [sflag:$0x2] =	stream.linear.gather [hbm4b:s29+s2], $0x80, $0x38;
	(v2sf) =	vpush v0, $0xB;
	[tilespmem:$0x10200] =	vst v63  }
0x82: {  	s0 =	sadd.s32 s3, s0;
	s26 =	sand.u32 $0x1FFFFFF0, s30;
	s29 =	spop (v2sf)  }
0x83: {  	[tilespmem:s28], [sflag:$0x1] =	stream.linear.gather [hbm4b:s0+s2], $0x80, $0x38;
	(v2sf) =	vpush v0, $0xC;
	[tilespmem:$0x10200] =	vst v63  }
0x84: {  	s0 =	sadd.s32 s3, s26;
	s26 =	sand.u32 $0x1FFFFFF0, s29;
	s28 =	spop (v2sf)  }
0x85: {  	[tilespmem:s23], [sflag:$0x2] =	stream.linear.gather [hbm4b:s0+s2], $0x80, $0x38;
	(v2sf) =	vpush v0, $0xD;
	[tilespmem:$0x10200] =	vst v63  }
0x86: {  	s0 =	sadd.s32 s3, s26;
	s23 =	sand.u32 $0x1FFFFFF0, s28;
	s26 =	spop (v2sf)  }
0x87: {  	[tilespmem:s24], [sflag:$0x1] =	stream.linear.gather [hbm4b:s0+s2], $0x80, $0x38;
	(v2sf) =	vpush v0, $0xE;
	[tilespmem:$0x10200] =	vst v63  }
0x88: {  	s0 =	sadd.s32 s3, s23;
	s23 =	sand.u32 $0x1FFFFFF0, s26;
	s24 =	spop (v2sf)  }
0x89: {  	[tilespmem:s25], [sflag:$0x2] =	stream.linear.gather [hbm4b:s0+s2], $0x80, $0x38;
	(v2sf) =	vpush v0, $0xF;
	[tilespmem:$0x10200] =	vst v63  }
0x8a: {  	s0 =	sadd.s32 s3, s23;
	s23 =	sand.u32 $0x1FFFFFF0, s24;
	s24 =	spop (v2sf)  }
0x8b: {  	[tilespmem:s22], [sflag:$0x1] =	stream.linear.gather [hbm4b:s0+s2], $0x80, $0x38;
	[tilespmem:$0x10200] =	vst v63  }
0x8c: {  	s0 =	sadd.s32 s3, s23;
	s22 =	sand.u32 $0x1FFFFFF0, s24;
	s23 =	spop (v2sf)  }
0x8d: {  	[tilespmem:s21], [sflag:$0x2] =	stream.linear.gather [hbm4b:s0+s2], $0x80, $0x38;
	[tilespmem:$0x10200] =	vst v63  }
0x8e: {  	s0 =	sadd.s32 s3, s22;
	s21 =	sand.u32 $0x1FFFFFF0, s23;
	s22 =	spop (v2sf)  }
0x8f: {  	[tilespmem:s20], [sflag:$0x1] =	stream.linear.gather [hbm4b:s0+s2], $0x80, $0x38;
	[tilespmem:$0x10200] =	vst v63  }
0x90: {  	s0 =	sadd.s32 s3, s21;
	s20 =	sand.u32 $0x1FFFFFF0, s22;
	s21 =	spop (v2sf)  }
0x91: {  	[tilespmem:s19], [sflag:$0x2] =	stream.linear.gather [hbm4b:s0+s2], $0x80, $0x38;
	[tilespmem:$0x10200] =	vst v63  }
0x92: {  	s0 =	sadd.s32 s3, s20;
	s19 =	sand.u32 $0x1FFFFFF0, s21;
	s20 =	spop (v2sf)  }
0x93: {  	[tilespmem:s18], [sflag:$0x1] =	stream.linear.gather [hbm4b:s0+s2], $0x80, $0x38;
	[tilespmem:$0x10200] =	vst v63  }
0x94: {  	s0 =	sadd.s32 s3, s19;
	s18 =	sand.u32 $0x1FFFFFF0, s20;
	s19 =	spop (v2sf)  }
0x95: {  	[tilespmem:s17], [sflag:$0x2] =	stream.linear.gather [hbm4b:s0+s2], $0x80, $0x38;
	[tilespmem:$0x10200] =	vst v63  }
0x96: {  	s0 =	sadd.s32 s3, s18;
	s17 =	sand.u32 $0x1FFFFFF0, s19;
	s18 =	spop (v2sf)  }
0x97: {  	[tilespmem:s16], [sflag:$0x1] =	stream.linear.gather [hbm4b:s0+s2], $0x80, $0x38;
	[tilespmem:$0x10200] =	vst v63  }
0x98: {  	s0 =	sadd.s32 s3, s17;
	s16 =	sand.u32 $0x1FFFFFF0, s18;
	s17 =	spop (v2sf)  }
0x99: {  	[tilespmem:s15], [sflag:$0x2] =	stream.linear.gather [hbm4b:s0+s2], $0x80, $0x38;
	[tilespmem:$0x10200] =	vst v63  }
0x9a: {  	s0 =	sadd.s32 $0xFFFFFF00, s14;
	s15 =	sadd.s32 s3, s16;
	s16 =	sand.u32 $0x1FFFFFF0, s17  }
0x9b: {  	[tilespmem:s0], [sflag:$0x1] =	stream.linear.gather [hbm4b:s15+s2], $0x80, $0x38;
	[tilespmem:$0x10200] =	vst v63  }
0x9c: {  	s0 =	sadd.s32 $0xFFFFFF80, s14;
	s15 =	sadd.s32 s3, s16  }
0x9d: {  	[tilespmem:s0], [sflag:$0x2] =	stream.linear.gather [hbm4b:s15+s2], $0x80, $0x38;
	[tilespmem:$0x10200] =	vst v63  }
0x9e: {  	v0 =	vld [tilespmem:s13+$0x0];
	_ =	sdelay $0x4  }
0x9f: {  	v0 =	vshll.u32 v0, $0x4  }
0xa0: {  	(v2sf) =	vpush v0, $0x0  }
0xa1: {  	(v2sf) =	vpush v0, $0x1  }
0xa2: {  	(v2sf) =	vpush v0, $0x2;
	_ =	sdelay $0x1  }
0xa3: {  	(v2sf) =	vpush v0, $0x3;
	_ =	sdelay $0x1  }
0xa4: {  	(v2sf) =	vpush v0, $0x4;
	_ =	sdelay $0x1  }
0xa5: {  	(v2sf) =	vpush v0, $0x5;
	_ =	sdelay $0x1  }
0xa6: {  	(v2sf) =	vpush v0, $0x6  }
0xa7: {  	s15 =	sadd.s32 $0x680, s14;
	s13 =	sadd.s32 $0x20, s13  }
0xa8: {  	s18 =	sadd.s32 $0x500, s14;
	s17 =	sadd.s32 $0x580, s14;
	s16 =	sadd.s32 $0x600, s14;
	(v2sf) =	vpush v0, $0x7  }
0xa9: {  	s21 =	sadd.s32 $0x380, s14;
	s20 =	sadd.s32 $0x400, s14;
	s19 =	sadd.s32 $0x480, s14  }
0xaa: {  	s23 =	sadd.s32 $0x300, s14;
	s22 =	sadd.s32 $0x280, s14;
	s0 =	sadd.s32 $0x200, s14;
	(v2sf) =	vpush v0, $0x8  }
0xab: {  	s25 =	sadd.s32 $0x180, s14;
	s24 =	sadd.s32 $0x100, s14;
	s26 =	spop (v2sf)  }
0xac: {  	s28 =	sadd.s32 $0x80, s14;
	s26 =	sand.u32 $0x1FFFFFF0, s26;
	s29 =	spop (v2sf);
	(v2sf) =	vpush v0, $0x9  }
0xad: {  	s26 =	sadd.s32 s3, s26;
	s29 =	sand.u32 $0x1FFFFFF0, s29;
	s30 =	spop (v2sf)  }
0xae: {  	[tilespmem:s14], [sflag:$0x1] =	stream.linear.gather [hbm4b:s26+s2], $0x80, $0x38;
	(v2sf) =	vpush v0, $0xA;
	[tilespmem:$0x10200] =	vst v63  }
0xaf: {  	s26 =	sadd.s32 s3, s29;
	s29 =	sand.u32 $0x1FFFFFF0, s30;
	s30 =	spop (v2sf)  }
0xb0: {  	[tilespmem:s28], [sflag:$0x2] =	stream.linear.gather [hbm4b:s26+s2], $0x80, $0x38;
	(v2sf) =	vpush v0, $0xB;
	[tilespmem:$0x10200] =	vst v63  }
0xb1: {  	s26 =	sadd.s32 s3, s29;
	s28 =	sand.u32 $0x1FFFFFF0, s30;
	s29 =	spop (v2sf)  }
0xb2: {  	[tilespmem:s24], [sflag:$0x1] =	stream.linear.gather [hbm4b:s26+s2], $0x80, $0x38;
	(v2sf) =	vpush v0, $0xC;
	[tilespmem:$0x10200] =	vst v63  }
0xb3: {  	s24 =	sadd.s32 s3, s28;
	s26 =	sand.u32 $0x1FFFFFF0, s29;
	s28 =	spop (v2sf)  }
0xb4: {  	[tilespmem:s25], [sflag:$0x2] =	stream.linear.gather [hbm4b:s24+s2], $0x80, $0x38;
	(v2sf) =	vpush v0, $0xD;
	[tilespmem:$0x10200] =	vst v63  }
0xb5: {  	s24 =	sadd.s32 s3, s26;
	s25 =	sand.u32 $0x1FFFFFF0, s28;
	s26 =	spop (v2sf)  }
0xb6: {  	[tilespmem:s0], [sflag:$0x1] =	stream.linear.gather [hbm4b:s24+s2], $0x80, $0x38;
	(v2sf) =	vpush v0, $0xE;
	[tilespmem:$0x10200] =	vst v63  }
0xb7: {  	s0 =	sadd.s32 s3, s25;
	s24 =	sand.u32 $0x1FFFFFF0, s26;
	s25 =	spop (v2sf)  }
0xb8: {  	[tilespmem:s22], [sflag:$0x2] =	stream.linear.gather [hbm4b:s0+s2], $0x80, $0x38;
	(v2sf) =	vpush v0, $0xF;
	[tilespmem:$0x10200] =	vst v63  }
0xb9: {  	s0 =	sadd.s32 s3, s24;
	s22 =	sand.u32 $0x1FFFFFF0, s25;
	s24 =	spop (v2sf)  }
0xba: {  	[tilespmem:s23], [sflag:$0x1] =	stream.linear.gather [hbm4b:s0+s2], $0x80, $0x38;
	[tilespmem:$0x10200] =	vst v63  }
0xbb: {  	s0 =	sadd.s32 s3, s22;
	s22 =	sand.u32 $0x1FFFFFF0, s24;
	s23 =	spop (v2sf)  }
0xbc: {  	[tilespmem:s21], [sflag:$0x2] =	stream.linear.gather [hbm4b:s0+s2], $0x80, $0x38;
	[tilespmem:$0x10200] =	vst v63  }
0xbd: {  	s0 =	sadd.s32 s3, s22;
	s21 =	sand.u32 $0x1FFFFFF0, s23;
	s22 =	spop (v2sf)  }
0xbe: {  	[tilespmem:s20], [sflag:$0x1] =	stream.linear.gather [hbm4b:s0+s2], $0x80, $0x38;
	[tilespmem:$0x10200] =	vst v63  }
0xbf: {  	s0 =	sadd.s32 s3, s21;
	s20 =	sand.u32 $0x1FFFFFF0, s22;
	s21 =	spop (v2sf)  }
0xc0: {  	[tilespmem:s19], [sflag:$0x2] =	stream.linear.gather [hbm4b:s0+s2], $0x80, $0x38;
	[tilespmem:$0x10200] =	vst v63  }
0xc1: {  	s0 =	sadd.s32 s3, s20;
	s19 =	sand.u32 $0x1FFFFFF0, s21;
	s20 =	spop (v2sf)  }
0xc2: {  	[tilespmem:s18], [sflag:$0x1] =	stream.linear.gather [hbm4b:s0+s2], $0x80, $0x38;
	[tilespmem:$0x10200] =	vst v63  }
0xc3: {  	s0 =	sadd.s32 s3, s19;
	s18 =	sand.u32 $0x1FFFFFF0, s20;
	s19 =	spop (v2sf)  }
0xc4: {  	[tilespmem:s17], [sflag:$0x2] =	stream.linear.gather [hbm4b:s0+s2], $0x80, $0x38;
	[tilespmem:$0x10200] =	vst v63  }
0xc5: {  	s0 =	sadd.s32 s3, s18;
	s17 =	sand.u32 $0x1FFFFFF0, s19;
	s18 =	spop (v2sf)  }
0xc6: {  	[tilespmem:s16], [sflag:$0x1] =	stream.linear.gather [hbm4b:s0+s2], $0x80, $0x38;
	[tilespmem:$0x10200] =	vst v63  }
0xc7: {  	s0 =	sadd.s32 s3, s17  }
.Ltmp0:
0xc8: {  	s16 =	sand.u32 $0x1FFFFFF0, s18;
	s17 =	spop (v2sf);
	(pc) =	sbr.rel @p0 .LBB2_2-.Ltmp0, $4  }
0xc9: {  	[tilespmem:s15], [sflag:$0x2] =	stream.linear.gather [hbm4b:s0+s2], $0x80, $0x38;
	[tilespmem:$0x10200] =	vst v63  }
0xca: {  	s0 =	sadd.s32 $0x700, s14;
	s15 =	sadd.s32 s3, s16;
	s16 =	sand.u32 $0x1FFFFFF0, s17  }
0xcb: {  	[tilespmem:s0], [sflag:$0x1] =	stream.linear.gather [hbm4b:s15+s2], $0x80, $0x38;
	[tilespmem:$0x10200] =	vst v63  }
0xcc: {  	s16 =	sadd.s32 s3, s16;
	s15 =	sadd.s32 $0x780, s14;
	s14 =	sadd.s32 $0x1000, s14  }
0xcd: {  	[tilespmem:s15], [sflag:$0x2] =	stream.linear.gather [hbm4b:s16+s2], $0x80, $0x38;
	[tilespmem:$0x10200] =	vst v63  }
0xce: {  	_ =	swait.ge [sflag:s8], $0x8000  }
0xcf: {  	[sflag:s8] =	ssyncset.done $0x0  }
0xd0: {  	[sflag:s8] =	ssyncadd.s32 $0xFFFF8000  }
0xd1: {  	s11 =	sadd.s32 $0x1, s11;
	_ =	swait.ge [sflag:s9], $0x8000  }
0xd2: {  	p0 =	sne.s32 s11, s6;
	[sflag:s9] =	ssyncset.done $0x0  }
.Ltmp1:
0xd3: {  	[sflag:s9] =	ssyncadd.s32 $0xFFFF8000;
	(pc) =	sbr.rel @p0 .LBB2_1-.Ltmp1, $4  }
0xd4: {  	[hbm4b:s5+s2] =	stream.linear.scatter [tilespmem:s10], [sflag:$0x3], $0x10000, $0x38;
	[tilespmem:$0x10200] =	vst v63  }
0xd5: {  	_ =	swait.ge [sflag:s7], $0x10000  }
0xd6: {  	[sflag:s7] =	ssyncset.done $0x0  }
0xd7: {  	[sflag:s7] =	ssyncadd.s32 $0xFFFF0000  }
0xd8: {  	_ =	sfence.sel $0x180000  }
0xd9: {  	[bflag:$0x0] =	sbarrier.arrive $0xFFFF  }
0xda: {  	_ =	strace $0x90000047  }
0xdb: {  	[bflag:$0x2] =	sbarrier.arrive $0xFFFF  }
0xdc: {  	p0 =	sne.s32 s1, $0x0;
	s0 =	rddreg [dreg:$0x2]  }
0xdd: {  	s0 =	sadd.s32 @!p0 $0x100000, s0  }
0xde: {  	[sflag:s0] =	ssyncadd.tile.s32 @!p0 $0x1;
	_ =	shalt  }
.Lfunc_end2:
_tile_overlayer_lowered:
.L_overlay_start_2:
0xdf: {  	(tag) =	ssettag $0x2  }
0xe0: {  	s0 =	rddreg [dreg:$0x0];
	s2 =	stileid.u32  }
0xe1: {  	s1 =	rddreg [dreg:$0x1];
	p0 =	sne.s32 s2, $0x0  }
0xe2: {  	s3 =	rddreg [dreg:$0x2];
	[bflag:$0x3] =	sbarrier.arrive $0xFFFF;
	s2 =	simm.s32 @!p0 $0x1C03  }
0xe3: {  	[timem:s3], [sflag:s2] =	dma.local @!p0 [hbm:s0], s1  }
0xe4: {  	s0 =	simm.s32 @!p0 $0x3  }
0xe5: {  	_ =	swait.ge @!p0 [sflag:s0], s1  }
0xe6: {  	s1 =	ssub.s32 @!p0 $0x0, s1;
	[sflag:s0] =	ssyncset.done @!p0 $0x0  }
0xe7: {  	[sflag:s0] =	ssyncadd.s32 @!p0 s1  }
0xe8: {  	[bflag:$0x3] =	sbarrier.arrive $0xFFFF  }
0xe9: {  	_ =	shalt  }

</sc_bundles>
